<compile_context>
chip_gen: v7x
topology: tpu7x:2x2x1
jax: 0.10.2.dev20260603
libtpu: 0.0.44.dev20260713+nightly
codegen_flags: <defaults>
</compile_context>

<pallas_src>
import functools

import jax
import jax.numpy as jnp
from jax import lax
from jax.experimental import pallas as pl
from jax.experimental.pallas import tpu as pltpu
from jax.experimental.pallas import tpu_sc as plsc

NC = 2
NS = 16
NW = NC * NS
CH = 128
K = 5


def kernel(token_ids, weight):
    B, H = token_ids.shape
    V, D = weight.shape
    N = B * H
    per_w = N // NW
    n_ch = per_w // CH
    n_g = n_ch // K
    G = K * CH
    GB = G // H
    per_wb = per_w // H
    assert per_w * NW == N and n_g * K == n_ch and n_g % 2 == 0
    assert GB * H == G and per_wb * H == per_w

    idx = token_ids.reshape(NW, n_ch, CH).astype(jnp.int32)
    mesh = plsc.VectorSubcoreMesh(core_axis_name="c", subcore_axis_name="s")

    @functools.partial(
        pl.kernel,
        out_type=jax.ShapeDtypeStruct((B, H, D), jnp.float32),
        mesh=mesh,
        scratch_types=[
            pltpu.VMEM((n_ch, CH), jnp.int32),
            pltpu.VMEM((2, G, D), jnp.float32),
            pltpu.SemaphoreType.DMA,
            pltpu.SemaphoreType.DMA,
            pltpu.SemaphoreType.DMA,
            pltpu.SemaphoreType.DMA,
        ],
        compiler_params=pltpu.CompilerParams(use_tc_tiling_on_sc=False),
    )
    def gather_kernel(idx_hbm, tab_hbm, out_hbm, idx_v, rows_v, g0, g1, o0, o1):
        wid = lax.axis_index("s") * NC + lax.axis_index("c")
        base_b = wid * per_wb
        pltpu.sync_copy(idx_hbm.at[wid], idx_v)

        def fire_gathers(t, s, sem):
            for i in range(K):
                pltpu.async_copy(
                    tab_hbm.at[idx_v.at[t * K + i]],
                    rows_v.at[s, pl.ds(i * CH, CH)],
                    sem,
                )

        def fire_out(t, s, sem):
            def one(b, carry):
                pltpu.async_copy(
                    rows_v.at[s, pl.ds(b * H, H)],
                    out_hbm.at[base_b + t * GB + b],
                    sem,
                )
                return carry
            lax.fori_loop(0, GB, one, 0)

        def drain_gathers(s, sem):
            pltpu.make_async_copy(tab_hbm.at[pl.ds(0, G)], rows_v.at[s], sem).wait()

        def drain_out(s, sem):
            def one(b, carry):
                pltpu.make_async_copy(
                    rows_v.at[s, pl.ds(0, H)], out_hbm.at[base_b], sem
                ).wait()
                return carry
            lax.fori_loop(0, GB, one, 0)

        fire_gathers(0, 0, g0)
        fire_gathers(1, 1, g1)

        def body(u, carry):
            t0 = 2 * u
            drain_gathers(0, g0)
            fire_out(t0 - 2, 0, o0)
            drain_out(0, o0)
            fire_gathers(t0, 0, g0)
            drain_gathers(1, g1)
            fire_out(t0 - 1, 1, o1)
            drain_out(1, o1)
            fire_gathers(t0 + 1, 1, g1)
            return carry

        lax.fori_loop(1, n_g // 2, body, 0)

        drain_gathers(0, g0)
        fire_out(n_g - 2, 0, o0)
        drain_gathers(1, g1)
        fire_out(n_g - 1, 1, o1)
        drain_out(0, o0)
        drain_out(1, o1)

    return gather_kernel(idx, weight)

# --- scband reference (transcript-rebuilt; emitter-appended) ---
"""Pipeline reference for scband-embedding-module-59115929862946 (READ-ONLY COPY).

The authoritative reference and input builder live on the scoring server;
editing this copy changes nothing except your own understanding.
"""

import jax, jax.numpy as jnp
import numpy as np

VOCAB = 1000000
EMBED = 64
BATCH = 16384
HIST = 20

def setup_inputs(seed: int = 0) -> dict:
    key = jax.random.key(seed)
    k_idx, k_w = jax.random.split(key)
    token_ids = jax.random.randint(k_idx, (BATCH, HIST), 0, VOCAB, dtype=jnp.int64 if jax.config.read('jax_enable_x64') else jnp.int32)
    weight = jax.random.normal(k_w, (VOCAB, EMBED), dtype=jnp.float32) * 0.02
    return {"token_ids": token_ids, "weight": weight}

def reference(token_ids, weight):
    # Faithful translation of: self.weight[token_ids]
    return jnp.take(weight, token_ids, axis=0)

if __name__ == "__main__":
    import jax
    _d = setup_inputs()
    print(jax.jit(kernel)(*tuple(_d.values())))

</pallas_src>

<mosaic_0001>
#map = affine_map<(d0, d1) -> (0, 0, 0)>
#map1 = affine_map<(d0, d1) -> (0, 0)>
module attributes {stable_mosaic.version = 14 : i64} {
  func.func @gather_kernel(%arg0: i32, %arg1: i32, %arg2: memref<32x80x128xi32, #tpu.memory_space<hbm>>, %arg3: memref<1000000x64xf32, #tpu.memory_space<hbm>>, %arg4: memref<16384x20x64xf32, #tpu.memory_space<hbm>>, %arg5: memref<80x128xi32, #tpu.memory_space<vmem>>, %arg6: memref<2x640x64xf32, #tpu.memory_space<vmem>>, %arg7: memref<!tpu.dma_semaphore, #tpu.memory_space<semaphore_mem>>, %arg8: memref<!tpu.dma_semaphore, #tpu.memory_space<semaphore_mem>>, %arg9: memref<!tpu.dma_semaphore, #tpu.memory_space<semaphore_mem>>, %arg10: memref<!tpu.dma_semaphore, #tpu.memory_space<semaphore_mem>>) attributes {dimension_semantics = [#tpu.dimension_semantics<core_parallel>, #tpu.dimension_semantics<subcore_parallel>], iteration_bounds = array<i64: 2, 16>, scalar_prefetch = 0 : i64, scratch_operands = 6 : i64, tpu.core_type = #tpu.core_type<sc_vector_subcore>, window_params = [{transform_indices = #map}, {transform_indices = #map1}, {transform_indices = #map}]} {
    %mul3A = arith.constant 2 : i32
    %mul3A_0 = arith.muli %arg1, %mul3A : i32
    %add3A = arith.addi %mul3A_0, %arg0 : i32
    %mul3A_1 = arith.constant 512 : i32
    %mul3A_2 = arith.muli %add3A, %mul3A_1 : i32
    "tpu.region"() ({
      %run_scoped3A = tpu.sem_alloc : memref<!tpu.dma_semaphore, #tpu.memory_space<semaphore_mem>>
      %dma_start3A_180 = arith.constant 0 : i32
      %dma_start3A_181 = arith.constant 0 : i32
      %dma_start3A_182 = tpu.memref_slice %arg2[%add3A, %dma_start3A_180, %dma_start3A_181] : memref<32x80x128xi32, #tpu.memory_space<hbm>> -> memref<1x80x128xi32, #tpu.memory_space<hbm>>
      %dma_start3A_183 = tpu.memref_squeeze %dma_start3A_182 : memref<1x80x128xi32, #tpu.memory_space<hbm>> -> memref<80x128xi32, #tpu.memory_space<hbm>>
      %dma_start3A_184 = arith.constant 0 : i32
      %dma_start3A_185 = arith.constant 0 : i32
      %dma_start3A_186 = tpu.memref_slice %arg2[%add3A, %dma_start3A_184, %dma_start3A_185] : memref<32x80x128xi32, #tpu.memory_space<hbm>> -> memref<1x80x128xi32, #tpu.memory_space<hbm>>
      %dma_start3A_187 = tpu.memref_squeeze %dma_start3A_186 : memref<1x80x128xi32, #tpu.memory_space<hbm>> -> memref<80x128xi32, #tpu.memory_space<hbm>>
      tpu.enqueue_dma source(%dma_start3A_187 : memref<80x128xi32, #tpu.memory_space<hbm>>) target(%arg5 : memref<80x128xi32, #tpu.memory_space<vmem>>) target_semaphore(%run_scoped3A : memref<!tpu.dma_semaphore, #tpu.memory_space<semaphore_mem>>)
      %dma_wait3A_188 = arith.constant 0 : i32
      %dma_wait3A_189 = arith.constant 0 : i32
      %dma_wait3A_190 = tpu.memref_slice %arg2[%add3A, %dma_wait3A_188, %dma_wait3A_189] : memref<32x80x128xi32, #tpu.memory_space<hbm>> -> memref<1x80x128xi32, #tpu.memory_space<hbm>>
      %dma_wait3A_191 = tpu.memref_squeeze %dma_wait3A_190 : memref<1x80x128xi32, #tpu.memory_space<hbm>> -> memref<80x128xi32, #tpu.memory_space<hbm>>
      %dma_wait3A_192 = arith.constant 0 : i32
      %dma_wait3A_193 = arith.constant 0 : i32
      %dma_wait3A_194 = tpu.memref_slice %arg2[%add3A, %dma_wait3A_192, %dma_wait3A_193] : memref<32x80x128xi32, #tpu.memory_space<hbm>> -> memref<1x80x128xi32, #tpu.memory_space<hbm>>
      %dma_wait3A_195 = tpu.memref_squeeze %dma_wait3A_194 : memref<1x80x128xi32, #tpu.memory_space<hbm>> -> memref<80x128xi32, #tpu.memory_space<hbm>>
      tpu.wait_dma2 semaphore(%run_scoped3A : memref<!tpu.dma_semaphore, #tpu.memory_space<semaphore_mem>>) src(%dma_wait3A_195 : memref<80x128xi32, #tpu.memory_space<hbm>>) dst(%arg5 : memref<80x128xi32, #tpu.memory_space<vmem>>)
      tpu.yield
    }) : () -> ()
    %dma_start3A = arith.constant 0 : i32
    %dma_start3A_3 = arith.constant 0 : i32
    %dma_start3A_4 = arith.constant 0 : i32
    %dma_start3A_5 = arith.constant 0 : i32
    %dma_start3A_6 = tpu.memref_slice %arg6[%dma_start3A_3, %dma_start3A_4, %dma_start3A_5] : memref<2x640x64xf32, #tpu.memory_space<vmem>> -> memref<1x128x64xf32, #tpu.memory_space<vmem>>
    %dma_start3A_7 = tpu.memref_squeeze %dma_start3A_6 : memref<1x128x64xf32, #tpu.memory_space<vmem>> -> memref<128x64xf32, #tpu.memory_space<vmem>>
    %dma_start3A_8 = arith.constant 0 : i32
    %dma_start3A_9 = tpu.memref_slice %arg5[%dma_start3A, %dma_start3A_8] : memref<80x128xi32, #tpu.memory_space<vmem>> -> memref<1x128xi32, #tpu.memory_space<vmem>>
    %dma_start3A_10 = tpu.memref_squeeze %dma_start3A_9 : memref<1x128xi32, #tpu.memory_space<vmem>> -> memref<128xi32, #tpu.memory_space<vmem>>
    %dma_start3A_11 = arith.constant 0 : i32
    %dma_start3A_12 = arith.constant 0 : i32
    %dma_start3A_13 = tpu.memref_slice %arg3[%dma_start3A_11, %dma_start3A_12] : memref<1000000x64xf32, #tpu.memory_space<hbm>> -> memref<1000000x64xf32, #tpu.memory_space<hbm>>
    tpu.enqueue_indirect_dma source(%dma_start3A_13 : memref<1000000x64xf32, #tpu.memory_space<hbm>>) target(%dma_start3A_7 : memref<128x64xf32, #tpu.memory_space<vmem>>) offsets(%dma_start3A_10 : memref<128xi32, #tpu.memory_space<vmem>>) semaphore(%arg7 : memref<!tpu.dma_semaphore, #tpu.memory_space<semaphore_mem>>)
    %dma_start3A_14 = arith.constant 1 : i32
    %dma_start3A_15 = arith.constant 0 : i32
    %dma_start3A_16 = arith.constant 128 : i32
    %dma_start3A_17 = arith.constant 0 : i32
    %dma_start3A_18 = tpu.memref_slice %arg6[%dma_start3A_15, %dma_start3A_16, %dma_start3A_17] : memref<2x640x64xf32, #tpu.memory_space<vmem>> -> memref<1x128x64xf32, #tpu.memory_space<vmem>>
    %dma_start3A_19 = tpu.memref_squeeze %dma_start3A_18 : memref<1x128x64xf32, #tpu.memory_space<vmem>> -> memref<128x64xf32, #tpu.memory_space<vmem>>
    %dma_start3A_20 = arith.constant 0 : i32
    %dma_start3A_21 = tpu.memref_slice %arg5[%dma_start3A_14, %dma_start3A_20] : memref<80x128xi32, #tpu.memory_space<vmem>> -> memref<1x128xi32, #tpu.memory_space<vmem>>
    %dma_start3A_22 = tpu.memref_squeeze %dma_start3A_21 : memref<1x128xi32, #tpu.memory_space<vmem>> -> memref<128xi32, #tpu.memory_space<vmem>>
    %dma_start3A_23 = arith.constant 0 : i32
    %dma_start3A_24 = arith.constant 0 : i32
    %dma_start3A_25 = tpu.memref_slice %arg3[%dma_start3A_23, %dma_start3A_24] : memref<1000000x64xf32, #tpu.memory_space<hbm>> -> memref<1000000x64xf32, #tpu.memory_space<hbm>>
    tpu.enqueue_indirect_dma source(%dma_start3A_25 : memref<1000000x64xf32, #tpu.memory_space<hbm>>) target(%dma_start3A_19 : memref<128x64xf32, #tpu.memory_space<vmem>>) offsets(%dma_start3A_22 : memref<128xi32, #tpu.memory_space<vmem>>) semaphore(%arg7 : memref<!tpu.dma_semaphore, #tpu.memory_space<semaphore_mem>>)
    %dma_start3A_26 = arith.constant 2 : i32
    %dma_start3A_27 = arith.constant 0 : i32
    %dma_start3A_28 = arith.constant 256 : i32
    %dma_start3A_29 = arith.constant 0 : i32
    %dma_start3A_30 = tpu.memref_slice %arg6[%dma_start3A_27, %dma_start3A_28, %dma_start3A_29] : memref<2x640x64xf32, #tpu.memory_space<vmem>> -> memref<1x128x64xf32, #tpu.memory_space<vmem>>
    %dma_start3A_31 = tpu.memref_squeeze %dma_start3A_30 : memref<1x128x64xf32, #tpu.memory_space<vmem>> -> memref<128x64xf32, #tpu.memory_space<vmem>>
    %dma_start3A_32 = arith.constant 0 : i32
    %dma_start3A_33 = tpu.memref_slice %arg5[%dma_start3A_26, %dma_start3A_32] : memref<80x128xi32, #tpu.memory_space<vmem>> -> memref<1x128xi32, #tpu.memory_space<vmem>>
    %dma_start3A_34 = tpu.memref_squeeze %dma_start3A_33 : memref<1x128xi32, #tpu.memory_space<vmem>> -> memref<128xi32, #tpu.memory_space<vmem>>
    %dma_start3A_35 = arith.constant 0 : i32
    %dma_start3A_36 = arith.constant 0 : i32
    %dma_start3A_37 = tpu.memref_slice %arg3[%dma_start3A_35, %dma_start3A_36] : memref<1000000x64xf32, #tpu.memory_space<hbm>> -> memref<1000000x64xf32, #tpu.memory_space<hbm>>
    tpu.enqueue_indirect_dma source(%dma_start3A_37 : memref<1000000x64xf32, #tpu.memory_space<hbm>>) target(%dma_start3A_31 : memref<128x64xf32, #tpu.memory_space<vmem>>) offsets(%dma_start3A_34 : memref<128xi32, #tpu.memory_space<vmem>>) semaphore(%arg7 : memref<!tpu.dma_semaphore, #tpu.memory_space<semaphore_mem>>)
    %dma_start3A_38 = arith.constant 3 : i32
    %dma_start3A_39 = arith.constant 0 : i32
    %dma_start3A_40 = arith.constant 384 : i32
    %dma_start3A_41 = arith.constant 0 : i32
    %dma_start3A_42 = tpu.memref_slice %arg6[%dma_start3A_39, %dma_start3A_40, %dma_start3A_41] : memref<2x640x64xf32, #tpu.memory_space<vmem>> -> memref<1x128x64xf32, #tpu.memory_space<vmem>>
    %dma_start3A_43 = tpu.memref_squeeze %dma_start3A_42 : memref<1x128x64xf32, #tpu.memory_space<vmem>> -> memref<128x64xf32, #tpu.memory_space<vmem>>
    %dma_start3A_44 = arith.constant 0 : i32
    %dma_start3A_45 = tpu.memref_slice %arg5[%dma_start3A_38, %dma_start3A_44] : memref<80x128xi32, #tpu.memory_space<vmem>> -> memref<1x128xi32, #tpu.memory_space<vmem>>
    %dma_start3A_46 = tpu.memref_squeeze %dma_start3A_45 : memref<1x128xi32, #tpu.memory_space<vmem>> -> memref<128xi32, #tpu.memory_space<vmem>>
    %dma_start3A_47 = arith.constant 0 : i32
    %dma_start3A_48 = arith.constant 0 : i32
    %dma_start3A_49 = tpu.memref_slice %arg3[%dma_start3A_47, %dma_start3A_48] : memref<1000000x64xf32, #tpu.memory_space<hbm>> -> memref<1000000x64xf32, #tpu.memory_space<hbm>>
    tpu.enqueue_indirect_dma source(%dma_start3A_49 : memref<1000000x64xf32, #tpu.memory_space<hbm>>) target(%dma_start3A_43 : memref<128x64xf32, #tpu.memory_space<vmem>>) offsets(%dma_start3A_46 : memref<128xi32, #tpu.memory_space<vmem>>) semaphore(%arg7 : memref<!tpu.dma_semaphore, #tpu.memory_space<semaphore_mem>>)
    %dma_start3A_50 = arith.constant 4 : i32
    %dma_start3A_51 = arith.constant 0 : i32
    %dma_start3A_52 = arith.constant 512 : i32
    %dma_start3A_53 = arith.constant 0 : i32
    %dma_start3A_54 = tpu.memref_slice %arg6[%dma_start3A_51, %dma_start3A_52, %dma_start3A_53] : memref<2x640x64xf32, #tpu.memory_space<vmem>> -> memref<1x128x64xf32, #tpu.memory_space<vmem>>
    %dma_start3A_55 = tpu.memref_squeeze %dma_start3A_54 : memref<1x128x64xf32, #tpu.memory_space<vmem>> -> memref<128x64xf32, #tpu.memory_space<vmem>>
    %dma_start3A_56 = arith.constant 0 : i32
    %dma_start3A_57 = tpu.memref_slice %arg5[%dma_start3A_50, %dma_start3A_56] : memref<80x128xi32, #tpu.memory_space<vmem>> -> memref<1x128xi32, #tpu.memory_space<vmem>>
    %dma_start3A_58 = tpu.memref_squeeze %dma_start3A_57 : memref<1x128xi32, #tpu.memory_space<vmem>> -> memref<128xi32, #tpu.memory_space<vmem>>
    %dma_start3A_59 = arith.constant 0 : i32
    %dma_start3A_60 = arith.constant 0 : i32
    %dma_start3A_61 = tpu.memref_slice %arg3[%dma_start3A_59, %dma_start3A_60] : memref<1000000x64xf32, #tpu.memory_space<hbm>> -> memref<1000000x64xf32, #tpu.memory_space<hbm>>
    tpu.enqueue_indirect_dma source(%dma_start3A_61 : memref<1000000x64xf32, #tpu.memory_space<hbm>>) target(%dma_start3A_55 : memref<128x64xf32, #tpu.memory_space<vmem>>) offsets(%dma_start3A_58 : memref<128xi32, #tpu.memory_space<vmem>>) semaphore(%arg7 : memref<!tpu.dma_semaphore, #tpu.memory_space<semaphore_mem>>)
    %dma_start3A_62 = arith.constant 5 : i32
    %dma_start3A_63 = arith.constant 1 : i32
    %dma_start3A_64 = arith.constant 0 : i32
    %dma_start3A_65 = arith.constant 0 : i32
    %dma_start3A_66 = tpu.memref_slice %arg6[%dma_start3A_63, %dma_start3A_64, %dma_start3A_65] : memref<2x640x64xf32, #tpu.memory_space<vmem>> -> memref<1x128x64xf32, #tpu.memory_space<vmem>>
    %dma_start3A_67 = tpu.memref_squeeze %dma_start3A_66 : memref<1x128x64xf32, #tpu.memory_space<vmem>> -> memref<128x64xf32, #tpu.memory_space<vmem>>
    %dma_start3A_68 = arith.constant 0 : i32
    %dma_start3A_69 = tpu.memref_slice %arg5[%dma_start3A_62, %dma_start3A_68] : memref<80x128xi32, #tpu.memory_space<vmem>> -> memref<1x128xi32, #tpu.memory_space<vmem>>
    %dma_start3A_70 = tpu.memref_squeeze %dma_start3A_69 : memref<1x128xi32, #tpu.memory_space<vmem>> -> memref<128xi32, #tpu.memory_space<vmem>>
    %dma_start3A_71 = arith.constant 0 : i32
    %dma_start3A_72 = arith.constant 0 : i32
    %dma_start3A_73 = tpu.memref_slice %arg3[%dma_start3A_71, %dma_start3A_72] : memref<1000000x64xf32, #tpu.memory_space<hbm>> -> memref<1000000x64xf32, #tpu.memory_space<hbm>>
    tpu.enqueue_indirect_dma source(%dma_start3A_73 : memref<1000000x64xf32, #tpu.memory_space<hbm>>) target(%dma_start3A_67 : memref<128x64xf32, #tpu.memory_space<vmem>>) offsets(%dma_start3A_70 : memref<128xi32, #tpu.memory_space<vmem>>) semaphore(%arg8 : memref<!tpu.dma_semaphore, #tpu.memory_space<semaphore_mem>>)
    %dma_start3A_74 = arith.constant 6 : i32
    %dma_start3A_75 = arith.constant 1 : i32
    %dma_start3A_76 = arith.constant 128 : i32
    %dma_start3A_77 = arith.constant 0 : i32
    %dma_start3A_78 = tpu.memref_slice %arg6[%dma_start3A_75, %dma_start3A_76, %dma_start3A_77] : memref<2x640x64xf32, #tpu.memory_space<vmem>> -> memref<1x128x64xf32, #tpu.memory_space<vmem>>
    %dma_start3A_79 = tpu.memref_squeeze %dma_start3A_78 : memref<1x128x64xf32, #tpu.memory_space<vmem>> -> memref<128x64xf32, #tpu.memory_space<vmem>>
    %dma_start3A_80 = arith.constant 0 : i32
    %dma_start3A_81 = tpu.memref_slice %arg5[%dma_start3A_74, %dma_start3A_80] : memref<80x128xi32, #tpu.memory_space<vmem>> -> memref<1x128xi32, #tpu.memory_space<vmem>>
    %dma_start3A_82 = tpu.memref_squeeze %dma_start3A_81 : memref<1x128xi32, #tpu.memory_space<vmem>> -> memref<128xi32, #tpu.memory_space<vmem>>
    %dma_start3A_83 = arith.constant 0 : i32
    %dma_start3A_84 = arith.constant 0 : i32
    %dma_start3A_85 = tpu.memref_slice %arg3[%dma_start3A_83, %dma_start3A_84] : memref<1000000x64xf32, #tpu.memory_space<hbm>> -> memref<1000000x64xf32, #tpu.memory_space<hbm>>
    tpu.enqueue_indirect_dma source(%dma_start3A_85 : memref<1000000x64xf32, #tpu.memory_space<hbm>>) target(%dma_start3A_79 : memref<128x64xf32, #tpu.memory_space<vmem>>) offsets(%dma_start3A_82 : memref<128xi32, #tpu.memory_space<vmem>>) semaphore(%arg8 : memref<!tpu.dma_semaphore, #tpu.memory_space<semaphore_mem>>)
    %dma_start3A_86 = arith.constant 7 : i32
    %dma_start3A_87 = arith.constant 1 : i32
    %dma_start3A_88 = arith.constant 256 : i32
    %dma_start3A_89 = arith.constant 0 : i32
    %dma_start3A_90 = tpu.memref_slice %arg6[%dma_start3A_87, %dma_start3A_88, %dma_start3A_89] : memref<2x640x64xf32, #tpu.memory_space<vmem>> -> memref<1x128x64xf32, #tpu.memory_space<vmem>>
    %dma_start3A_91 = tpu.memref_squeeze %dma_start3A_90 : memref<1x128x64xf32, #tpu.memory_space<vmem>> -> memref<128x64xf32, #tpu.memory_space<vmem>>
    %dma_start3A_92 = arith.constant 0 : i32
    %dma_start3A_93 = tpu.memref_slice %arg5[%dma_start3A_86, %dma_start3A_92] : memref<80x128xi32, #tpu.memory_space<vmem>> -> memref<1x128xi32, #tpu.memory_space<vmem>>
    %dma_start3A_94 = tpu.memref_squeeze %dma_start3A_93 : memref<1x128xi32, #tpu.memory_space<vmem>> -> memref<128xi32, #tpu.memory_space<vmem>>
    %dma_start3A_95 = arith.constant 0 : i32
    %dma_start3A_96 = arith.constant 0 : i32
    %dma_start3A_97 = tpu.memref_slice %arg3[%dma_start3A_95, %dma_start3A_96] : memref<1000000x64xf32, #tpu.memory_space<hbm>> -> memref<1000000x64xf32, #tpu.memory_space<hbm>>
    tpu.enqueue_indirect_dma source(%dma_start3A_97 : memref<1000000x64xf32, #tpu.memory_space<hbm>>) target(%dma_start3A_91 : memref<128x64xf32, #tpu.memory_space<vmem>>) offsets(%dma_start3A_94 : memref<128xi32, #tpu.memory_space<vmem>>) semaphore(%arg8 : memref<!tpu.dma_semaphore, #tpu.memory_space<semaphore_mem>>)
    %dma_start3A_98 = arith.constant 8 : i32
    %dma_start3A_99 = arith.constant 1 : i32
    %dma_start3A_100 = arith.constant 384 : i32
    %dma_start3A_101 = arith.constant 0 : i32
    %dma_start3A_102 = tpu.memref_slice %arg6[%dma_start3A_99, %dma_start3A_100, %dma_start3A_101] : memref<2x640x64xf32, #tpu.memory_space<vmem>> -> memref<1x128x64xf32, #tpu.memory_space<vmem>>
    %dma_start3A_103 = tpu.memref_squeeze %dma_start3A_102 : memref<1x128x64xf32, #tpu.memory_space<vmem>> -> memref<128x64xf32, #tpu.memory_space<vmem>>
    %dma_start3A_104 = arith.constant 0 : i32
    %dma_start3A_105 = tpu.memref_slice %arg5[%dma_start3A_98, %dma_start3A_104] : memref<80x128xi32, #tpu.memory_space<vmem>> -> memref<1x128xi32, #tpu.memory_space<vmem>>
    %dma_start3A_106 = tpu.memref_squeeze %dma_start3A_105 : memref<1x128xi32, #tpu.memory_space<vmem>> -> memref<128xi32, #tpu.memory_space<vmem>>
    %dma_start3A_107 = arith.constant 0 : i32
    %dma_start3A_108 = arith.constant 0 : i32
    %dma_start3A_109 = tpu.memref_slice %arg3[%dma_start3A_107, %dma_start3A_108] : memref<1000000x64xf32, #tpu.memory_space<hbm>> -> memref<1000000x64xf32, #tpu.memory_space<hbm>>
    tpu.enqueue_indirect_dma source(%dma_start3A_109 : memref<1000000x64xf32, #tpu.memory_space<hbm>>) target(%dma_start3A_103 : memref<128x64xf32, #tpu.memory_space<vmem>>) offsets(%dma_start3A_106 : memref<128xi32, #tpu.memory_space<vmem>>) semaphore(%arg8 : memref<!tpu.dma_semaphore, #tpu.memory_space<semaphore_mem>>)
    %dma_start3A_110 = arith.constant 9 : i32
    %dma_start3A_111 = arith.constant 1 : i32
    %dma_start3A_112 = arith.constant 512 : i32
    %dma_start3A_113 = arith.constant 0 : i32
    %dma_start3A_114 = tpu.memref_slice %arg6[%dma_start3A_111, %dma_start3A_112, %dma_start3A_113] : memref<2x640x64xf32, #tpu.memory_space<vmem>> -> memref<1x128x64xf32, #tpu.memory_space<vmem>>
    %dma_start3A_115 = tpu.memref_squeeze %dma_start3A_114 : memref<1x128x64xf32, #tpu.memory_space<vmem>> -> memref<128x64xf32, #tpu.memory_space<vmem>>
    %dma_start3A_116 = arith.constant 0 : i32
    %dma_start3A_117 = tpu.memref_slice %arg5[%dma_start3A_110, %dma_start3A_116] : memref<80x128xi32, #tpu.memory_space<vmem>> -> memref<1x128xi32, #tpu.memory_space<vmem>>
    %dma_start3A_118 = tpu.memref_squeeze %dma_start3A_117 : memref<1x128xi32, #tpu.memory_space<vmem>> -> memref<128xi32, #tpu.memory_space<vmem>>
    %dma_start3A_119 = arith.constant 0 : i32
    %dma_start3A_120 = arith.constant 0 : i32
    %dma_start3A_121 = tpu.memref_slice %arg3[%dma_start3A_119, %dma_start3A_120] : memref<1000000x64xf32, #tpu.memory_space<hbm>> -> memref<1000000x64xf32, #tpu.memory_space<hbm>>
    tpu.enqueue_indirect_dma source(%dma_start3A_121 : memref<1000000x64xf32, #tpu.memory_space<hbm>>) target(%dma_start3A_115 : memref<128x64xf32, #tpu.memory_space<vmem>>) offsets(%dma_start3A_118 : memref<128xi32, #tpu.memory_space<vmem>>) semaphore(%arg8 : memref<!tpu.dma_semaphore, #tpu.memory_space<semaphore_mem>>)
    %scan3A = arith.constant 0 : i32
    %scan3A_122 = arith.constant 1 : i32
    %scan3A_123 = arith.constant 7 : i32
    %scan3A_124 = arith.addi %scan3A_122, %scan3A_123 : i32
    %scan3A_125 = arith.constant 1 : i32
    scf.for %scan3A_180 = %scan3A_122 to %scan3A_124 step %scan3A_125  : i32 {
      %mul3A_181 = arith.constant 2 : i32
      %mul3A_182 = arith.muli %mul3A_181, %scan3A_180 : i32
      %dma_wait3A_183 = arith.constant 0 : i32
      %dma_wait3A_184 = arith.constant 0 : i32
      %dma_wait3A_185 = arith.constant 0 : i32
      %dma_wait3A_186 = tpu.memref_slice %arg6[%dma_wait3A_183, %dma_wait3A_184, %dma_wait3A_185] : memref<2x640x64xf32, #tpu.memory_space<vmem>> -> memref<1x640x64xf32, #tpu.memory_space<vmem>>
      %dma_wait3A_187 = tpu.memref_squeeze %dma_wait3A_186 : memref<1x640x64xf32, #tpu.memory_space<vmem>> -> memref<640x64xf32, #tpu.memory_space<vmem>>
      %dma_wait3A_188 = arith.constant 0 : i32
      %dma_wait3A_189 = arith.constant 0 : i32
      %dma_wait3A_190 = tpu.memref_slice %arg3[%dma_wait3A_188, %dma_wait3A_189] : memref<1000000x64xf32, #tpu.memory_space<hbm>> -> memref<640x64xf32, #tpu.memory_space<hbm>>
      %dma_wait3A_191 = arith.constant 0 : i32
      %dma_wait3A_192 = arith.constant 0 : i32
      %dma_wait3A_193 = tpu.memref_slice %arg6[%dma_wait3A_183, %dma_wait3A_191, %dma_wait3A_192] : memref<2x640x64xf32, #tpu.memory_space<vmem>> -> memref<1x640x64xf32, #tpu.memory_space<vmem>>
      %dma_wait3A_194 = tpu.memref_squeeze %dma_wait3A_193 : memref<1x640x64xf32, #tpu.memory_space<vmem>> -> memref<640x64xf32, #tpu.memory_space<vmem>>
      %dma_wait3A_195 = arith.constant 0 : i32
      %dma_wait3A_196 = arith.constant 0 : i32
      %dma_wait3A_197 = tpu.memref_slice %arg3[%dma_wait3A_195, %dma_wait3A_196] : memref<1000000x64xf32, #tpu.memory_space<hbm>> -> memref<640x64xf32, #tpu.memory_space<hbm>>
      tpu.wait_dma2 semaphore(%arg7 : memref<!tpu.dma_semaphore, #tpu.memory_space<semaphore_mem>>) src(%dma_wait3A_197 : memref<640x64xf32, #tpu.memory_space<hbm>>) dst(%dma_wait3A_194 : memref<640x64xf32, #tpu.memory_space<vmem>>)
      %sub3A = arith.constant 2 : i32
      %sub3A_198 = arith.subi %mul3A_182, %sub3A : i32
      %scan3A_199 = arith.constant 0 : i32
      %scan3A_200 = arith.constant 0 : i32
      %scan3A_201 = arith.constant 32 : i32
      %scan3A_202 = arith.addi %scan3A_200, %scan3A_201 : i32
      %scan3A_203 = arith.constant 1 : i32
      scf.for %scan3A_392 = %scan3A_200 to %scan3A_202 step %scan3A_203  : i32 {
        %mul3A_393 = arith.constant 20 : i32
        %mul3A_394 = arith.muli %scan3A_392, %mul3A_393 : i32
        %mul3A_395 = arith.constant 32 : i32
        %mul3A_396 = arith.muli %sub3A_198, %mul3A_395 : i32
        %add3A_397 = arith.addi %mul3A_2, %mul3A_396 : i32
        %add3A_398 = arith.addi %add3A_397, %scan3A_392 : i32
        %dma_start3A_399 = arith.constant 0 : i32
        %dma_start3A_400 = arith.constant 0 : i32
        %dma_start3A_401 = tpu.memref_slice %arg6[%dma_start3A_399, %mul3A_394, %dma_start3A_400] : memref<2x640x64xf32, #tpu.memory_space<vmem>> -> memref<1x20x64xf32, #tpu.memory_space<vmem>>
        %dma_start3A_402 = tpu.memref_squeeze %dma_start3A_401 : memref<1x20x64xf32, #tpu.memory_space<vmem>> -> memref<20x64xf32, #tpu.memory_space<vmem>>
        %dma_start3A_403 = arith.constant 0 : i32
        %dma_start3A_404 = arith.constant 0 : i32
        %dma_start3A_405 = tpu.memref_slice %arg4[%add3A_398, %dma_start3A_403, %dma_start3A_404] : memref<16384x20x64xf32, #tpu.memory_space<hbm>> -> memref<1x20x64xf32, #tpu.memory_space<hbm>>
        %dma_start3A_406 = tpu.memref_squeeze %dma_start3A_405 : memref<1x20x64xf32, #tpu.memory_space<hbm>> -> memref<20x64xf32, #tpu.memory_space<hbm>>
        %dma_start3A_407 = arith.constant 0 : i32
        %dma_start3A_408 = arith.constant 0 : i32
        %dma_start3A_409 = tpu.memref_slice %arg4[%add3A_398, %dma_start3A_407, %dma_start3A_408] : memref<16384x20x64xf32, #tpu.memory_space<hbm>> -> memref<1x20x64xf32, #tpu.memory_space<hbm>>
        %dma_start3A_410 = tpu.memref_squeeze %dma_start3A_409 : memref<1x20x64xf32, #tpu.memory_space<hbm>> -> memref<20x64xf32, #tpu.memory_space<hbm>>
        %dma_start3A_411 = arith.constant 0 : i32
        %dma_start3A_412 = tpu.memref_slice %arg6[%dma_start3A_399, %mul3A_394, %dma_start3A_411] : memref<2x640x64xf32, #tpu.memory_space<vmem>> -> memref<1x20x64xf32, #tpu.memory_space<vmem>>
        %dma_start3A_413 = tpu.memref_squeeze %dma_start3A_412 : memref<1x20x64xf32, #tpu.memory_space<vmem>> -> memref<20x64xf32, #tpu.memory_space<vmem>>
        tpu.enqueue_dma source(%dma_start3A_413 : memref<20x64xf32, #tpu.memory_space<vmem>>) target(%dma_start3A_410 : memref<20x64xf32, #tpu.memory_space<hbm>>) target_semaphore(%arg9 : memref<!tpu.dma_semaphore, #tpu.memory_space<semaphore_mem>>)
      }
      %scan3A_204 = arith.constant 32 : i32
      %scan3A_205 = arith.constant 0 : i32
      %scan3A_206 = arith.constant 0 : i32
      %scan3A_207 = arith.constant 32 : i32
      %scan3A_208 = arith.addi %scan3A_206, %scan3A_207 : i32
      %scan3A_209 = arith.constant 1 : i32
      scf.for %scan3A_392 = %scan3A_206 to %scan3A_208 step %scan3A_209  : i32 {
        %dma_wait3A_393 = arith.constant 0 : i32
        %dma_wait3A_394 = arith.constant 0 : i32
        %dma_wait3A_395 = arith.constant 0 : i32
        %dma_wait3A_396 = tpu.memref_slice %arg6[%dma_wait3A_393, %dma_wait3A_394, %dma_wait3A_395] : memref<2x640x64xf32, #tpu.memory_space<vmem>> -> memref<1x20x64xf32, #tpu.memory_space<vmem>>
        %dma_wait3A_397 = tpu.memref_squeeze %dma_wait3A_396 : memref<1x20x64xf32, #tpu.memory_space<vmem>> -> memref<20x64xf32, #tpu.memory_space<vmem>>
        %dma_wait3A_398 = arith.constant 0 : i32
        %dma_wait3A_399 = arith.constant 0 : i32
        %dma_wait3A_400 = tpu.memref_slice %arg4[%mul3A_2, %dma_wait3A_398, %dma_wait3A_399] : memref<16384x20x64xf32, #tpu.memory_space<hbm>> -> memref<1x20x64xf32, #tpu.memory_space<hbm>>
        %dma_wait3A_401 = tpu.memref_squeeze %dma_wait3A_400 : memref<1x20x64xf32, #tpu.memory_space<hbm>> -> memref<20x64xf32, #tpu.memory_space<hbm>>
        %dma_wait3A_402 = arith.constant 0 : i32
        %dma_wait3A_403 = arith.constant 0 : i32
        %dma_wait3A_404 = tpu.memref_slice %arg4[%mul3A_2, %dma_wait3A_402, %dma_wait3A_403] : memref<16384x20x64xf32, #tpu.memory_space<hbm>> -> memref<1x20x64xf32, #tpu.memory_space<hbm>>
        %dma_wait3A_405 = tpu.memref_squeeze %dma_wait3A_404 : memref<1x20x64xf32, #tpu.memory_space<hbm>> -> memref<20x64xf32, #tpu.memory_space<hbm>>
        %dma_wait3A_406 = arith.constant 0 : i32
        %dma_wait3A_407 = arith.constant 0 : i32
        %dma_wait3A_408 = tpu.memref_slice %arg6[%dma_wait3A_393, %dma_wait3A_406, %dma_wait3A_407] : memref<2x640x64xf32, #tpu.memory_space<vmem>> -> memref<1x20x64xf32, #tpu.memory_space<vmem>>
        %dma_wait3A_409 = tpu.memref_squeeze %dma_wait3A_408 : memref<1x20x64xf32, #tpu.memory_space<vmem>> -> memref<20x64xf32, #tpu.memory_space<vmem>>
        tpu.wait_dma2 semaphore(%arg9 : memref<!tpu.dma_semaphore, #tpu.memory_space<semaphore_mem>>) src(%dma_wait3A_409 : memref<20x64xf32, #tpu.memory_space<vmem>>) dst(%dma_wait3A_405 : memref<20x64xf32, #tpu.memory_space<hbm>>)
      }
      %scan3A_210 = arith.constant 32 : i32
      %mul3A_211 = arith.constant 5 : i32
      %mul3A_212 = arith.muli %mul3A_182, %mul3A_211 : i32
      %add3A_213 = arith.constant 0 : i32
      %add3A_214 = arith.addi %mul3A_212, %add3A_213 : i32
      %dma_start3A_215 = arith.constant 0 : i32
      %dma_start3A_216 = arith.constant 0 : i32
      %dma_start3A_217 = arith.constant 0 : i32
      %dma_start3A_218 = tpu.memref_slice %arg6[%dma_start3A_215, %dma_start3A_216, %dma_start3A_217] : memref<2x640x64xf32, #tpu.memory_space<vmem>> -> memref<1x128x64xf32, #tpu.memory_space<vmem>>
      %dma_start3A_219 = tpu.memref_squeeze %dma_start3A_218 : memref<1x128x64xf32, #tpu.memory_space<vmem>> -> memref<128x64xf32, #tpu.memory_space<vmem>>
      %dma_start3A_220 = arith.constant 0 : i32
      %dma_start3A_221 = tpu.memref_slice %arg5[%add3A_214, %dma_start3A_220] : memref<80x128xi32, #tpu.memory_space<vmem>> -> memref<1x128xi32, #tpu.memory_space<vmem>>
      %dma_start3A_222 = tpu.memref_squeeze %dma_start3A_221 : memref<1x128xi32, #tpu.memory_space<vmem>> -> memref<128xi32, #tpu.memory_space<vmem>>
      %dma_start3A_223 = arith.constant 0 : i32
      %dma_start3A_224 = arith.constant 0 : i32
      %dma_start3A_225 = tpu.memref_slice %arg3[%dma_start3A_223, %dma_start3A_224] : memref<1000000x64xf32, #tpu.memory_space<hbm>> -> memref<1000000x64xf32, #tpu.memory_space<hbm>>
      tpu.enqueue_indirect_dma source(%dma_start3A_225 : memref<1000000x64xf32, #tpu.memory_space<hbm>>) target(%dma_start3A_219 : memref<128x64xf32, #tpu.memory_space<vmem>>) offsets(%dma_start3A_222 : memref<128xi32, #tpu.memory_space<vmem>>) semaphore(%arg7 : memref<!tpu.dma_semaphore, #tpu.memory_space<semaphore_mem>>)
      %mul3A_226 = arith.constant 5 : i32
      %mul3A_227 = arith.muli %mul3A_182, %mul3A_226 : i32
      %add3A_228 = arith.constant 1 : i32
      %add3A_229 = arith.addi %mul3A_227, %add3A_228 : i32
      %dma_start3A_230 = arith.constant 0 : i32
      %dma_start3A_231 = arith.constant 128 : i32
      %dma_start3A_232 = arith.constant 0 : i32
      %dma_start3A_233 = tpu.memref_slice %arg6[%dma_start3A_230, %dma_start3A_231, %dma_start3A_232] : memref<2x640x64xf32, #tpu.memory_space<vmem>> -> memref<1x128x64xf32, #tpu.memory_space<vmem>>
      %dma_start3A_234 = tpu.memref_squeeze %dma_start3A_233 : memref<1x128x64xf32, #tpu.memory_space<vmem>> -> memref<128x64xf32, #tpu.memory_space<vmem>>
      %dma_start3A_235 = arith.constant 0 : i32
      %dma_start3A_236 = tpu.memref_slice %arg5[%add3A_229, %dma_start3A_235] : memref<80x128xi32, #tpu.memory_space<vmem>> -> memref<1x128xi32, #tpu.memory_space<vmem>>
      %dma_start3A_237 = tpu.memref_squeeze %dma_start3A_236 : memref<1x128xi32, #tpu.memory_space<vmem>> -> memref<128xi32, #tpu.memory_space<vmem>>
      %dma_start3A_238 = arith.constant 0 : i32
      %dma_start3A_239 = arith.constant 0 : i32
      %dma_start3A_240 = tpu.memref_slice %arg3[%dma_start3A_238, %dma_start3A_239] : memref<1000000x64xf32, #tpu.memory_space<hbm>> -> memref<1000000x64xf32, #tpu.memory_space<hbm>>
      tpu.enqueue_indirect_dma source(%dma_start3A_240 : memref<1000000x64xf32, #tpu.memory_space<hbm>>) target(%dma_start3A_234 : memref<128x64xf32, #tpu.memory_space<vmem>>) offsets(%dma_start3A_237 : memref<128xi32, #tpu.memory_space<vmem>>) semaphore(%arg7 : memref<!tpu.dma_semaphore, #tpu.memory_space<semaphore_mem>>)
      %mul3A_241 = arith.constant 5 : i32
      %mul3A_242 = arith.muli %mul3A_182, %mul3A_241 : i32
      %add3A_243 = arith.constant 2 : i32
      %add3A_244 = arith.addi %mul3A_242, %add3A_243 : i32
      %dma_start3A_245 = arith.constant 0 : i32
      %dma_start3A_246 = arith.constant 256 : i32
      %dma_start3A_247 = arith.constant 0 : i32
      %dma_start3A_248 = tpu.memref_slice %arg6[%dma_start3A_245, %dma_start3A_246, %dma_start3A_247] : memref<2x640x64xf32, #tpu.memory_space<vmem>> -> memref<1x128x64xf32, #tpu.memory_space<vmem>>
      %dma_start3A_249 = tpu.memref_squeeze %dma_start3A_248 : memref<1x128x64xf32, #tpu.memory_space<vmem>> -> memref<128x64xf32, #tpu.memory_space<vmem>>
      %dma_start3A_250 = arith.constant 0 : i32
      %dma_start3A_251 = tpu.memref_slice %arg5[%add3A_244, %dma_start3A_250] : memref<80x128xi32, #tpu.memory_space<vmem>> -> memref<1x128xi32, #tpu.memory_space<vmem>>
      %dma_start3A_252 = tpu.memref_squeeze %dma_start3A_251 : memref<1x128xi32, #tpu.memory_space<vmem>> -> memref<128xi32, #tpu.memory_space<vmem>>
      %dma_start3A_253 = arith.constant 0 : i32
      %dma_start3A_254 = arith.constant 0 : i32
      %dma_start3A_255 = tpu.memref_slice %arg3[%dma_start3A_253, %dma_start3A_254] : memref<1000000x64xf32, #tpu.memory_space<hbm>> -> memref<1000000x64xf32, #tpu.memory_space<hbm>>
      tpu.enqueue_indirect_dma source(%dma_start3A_255 : memref<1000000x64xf32, #tpu.memory_space<hbm>>) target(%dma_start3A_249 : memref<128x64xf32, #tpu.memory_space<vmem>>) offsets(%dma_start3A_252 : memref<128xi32, #tpu.memory_space<vmem>>) semaphore(%arg7 : memref<!tpu.dma_semaphore, #tpu.memory_space<semaphore_mem>>)
      %mul3A_256 = arith.constant 5 : i32
      %mul3A_257 = arith.muli %mul3A_182, %mul3A_256 : i32
      %add3A_258 = arith.constant 3 : i32
      %add3A_259 = arith.addi %mul3A_257, %add3A_258 : i32
      %dma_start3A_260 = arith.constant 0 : i32
      %dma_start3A_261 = arith.constant 384 : i32
      %dma_start3A_262 = arith.constant 0 : i32
      %dma_start3A_263 = tpu.memref_slice %arg6[%dma_start3A_260, %dma_start3A_261, %dma_start3A_262] : memref<2x640x64xf32, #tpu.memory_space<vmem>> -> memref<1x128x64xf32, #tpu.memory_space<vmem>>
      %dma_start3A_264 = tpu.memref_squeeze %dma_start3A_263 : memref<1x128x64xf32, #tpu.memory_space<vmem>> -> memref<128x64xf32, #tpu.memory_space<vmem>>
      %dma_start3A_265 = arith.constant 0 : i32
      %dma_start3A_266 = tpu.memref_slice %arg5[%add3A_259, %dma_start3A_265] : memref<80x128xi32, #tpu.memory_space<vmem>> -> memref<1x128xi32, #tpu.memory_space<vmem>>
      %dma_start3A_267 = tpu.memref_squeeze %dma_start3A_266 : memref<1x128xi32, #tpu.memory_space<vmem>> -> memref<128xi32, #tpu.memory_space<vmem>>
      %dma_start3A_268 = arith.constant 0 : i32
      %dma_start3A_269 = arith.constant 0 : i32
      %dma_start3A_270 = tpu.memref_slice %arg3[%dma_start3A_268, %dma_start3A_269] : memref<1000000x64xf32, #tpu.memory_space<hbm>> -> memref<1000000x64xf32, #tpu.memory_space<hbm>>
      tpu.enqueue_indirect_dma source(%dma_start3A_270 : memref<1000000x64xf32, #tpu.memory_space<hbm>>) target(%dma_start3A_264 : memref<128x64xf32, #tpu.memory_space<vmem>>) offsets(%dma_start3A_267 : memref<128xi32, #tpu.memory_space<vmem>>) semaphore(%arg7 : memref<!tpu.dma_semaphore, #tpu.memory_space<semaphore_mem>>)
      %mul3A_271 = arith.constant 5 : i32
      %mul3A_272 = arith.muli %mul3A_182, %mul3A_271 : i32
      %add3A_273 = arith.constant 4 : i32
      %add3A_274 = arith.addi %mul3A_272, %add3A_273 : i32
      %dma_start3A_275 = arith.constant 0 : i32
      %dma_start3A_276 = arith.constant 512 : i32
      %dma_start3A_277 = arith.constant 0 : i32
      %dma_start3A_278 = tpu.memref_slice %arg6[%dma_start3A_275, %dma_start3A_276, %dma_start3A_277] : memref<2x640x64xf32, #tpu.memory_space<vmem>> -> memref<1x128x64xf32, #tpu.memory_space<vmem>>
      %dma_start3A_279 = tpu.memref_squeeze %dma_start3A_278 : memref<1x128x64xf32, #tpu.memory_space<vmem>> -> memref<128x64xf32, #tpu.memory_space<vmem>>
      %dma_start3A_280 = arith.constant 0 : i32
      %dma_start3A_281 = tpu.memref_slice %arg5[%add3A_274, %dma_start3A_280] : memref<80x128xi32, #tpu.memory_space<vmem>> -> memref<1x128xi32, #tpu.memory_space<vmem>>
      %dma_start3A_282 = tpu.memref_squeeze %dma_start3A_281 : memref<1x128xi32, #tpu.memory_space<vmem>> -> memref<128xi32, #tpu.memory_space<vmem>>
      %dma_start3A_283 = arith.constant 0 : i32
      %dma_start3A_284 = arith.constant 0 : i32
      %dma_start3A_285 = tpu.memref_slice %arg3[%dma_start3A_283, %dma_start3A_284] : memref<1000000x64xf32, #tpu.memory_space<hbm>> -> memref<1000000x64xf32, #tpu.memory_space<hbm>>
      tpu.enqueue_indirect_dma source(%dma_start3A_285 : memref<1000000x64xf32, #tpu.memory_space<hbm>>) target(%dma_start3A_279 : memref<128x64xf32, #tpu.memory_space<vmem>>) offsets(%dma_start3A_282 : memref<128xi32, #tpu.memory_space<vmem>>) semaphore(%arg7 : memref<!tpu.dma_semaphore, #tpu.memory_space<semaphore_mem>>)
      %dma_wait3A_286 = arith.constant 1 : i32
      %dma_wait3A_287 = arith.constant 0 : i32
      %dma_wait3A_288 = arith.constant 0 : i32
      %dma_wait3A_289 = tpu.memref_slice %arg6[%dma_wait3A_286, %dma_wait3A_287, %dma_wait3A_288] : memref<2x640x64xf32, #tpu.memory_space<vmem>> -> memref<1x640x64xf32, #tpu.memory_space<vmem>>
      %dma_wait3A_290 = tpu.memref_squeeze %dma_wait3A_289 : memref<1x640x64xf32, #tpu.memory_space<vmem>> -> memref<640x64xf32, #tpu.memory_space<vmem>>
      %dma_wait3A_291 = arith.constant 0 : i32
      %dma_wait3A_292 = arith.constant 0 : i32
      %dma_wait3A_293 = tpu.memref_slice %arg3[%dma_wait3A_291, %dma_wait3A_292] : memref<1000000x64xf32, #tpu.memory_space<hbm>> -> memref<640x64xf32, #tpu.memory_space<hbm>>
      %dma_wait3A_294 = arith.constant 0 : i32
      %dma_wait3A_295 = arith.constant 0 : i32
      %dma_wait3A_296 = tpu.memref_slice %arg6[%dma_wait3A_286, %dma_wait3A_294, %dma_wait3A_295] : memref<2x640x64xf32, #tpu.memory_space<vmem>> -> memref<1x640x64xf32, #tpu.memory_space<vmem>>
      %dma_wait3A_297 = tpu.memref_squeeze %dma_wait3A_296 : memref<1x640x64xf32, #tpu.memory_space<vmem>> -> memref<640x64xf32, #tpu.memory_space<vmem>>
      %dma_wait3A_298 = arith.constant 0 : i32
      %dma_wait3A_299 = arith.constant 0 : i32
      %dma_wait3A_300 = tpu.memref_slice %arg3[%dma_wait3A_298, %dma_wait3A_299] : memref<1000000x64xf32, #tpu.memory_space<hbm>> -> memref<640x64xf32, #tpu.memory_space<hbm>>
      tpu.wait_dma2 semaphore(%arg8 : memref<!tpu.dma_semaphore, #tpu.memory_space<semaphore_mem>>) src(%dma_wait3A_300 : memref<640x64xf32, #tpu.memory_space<hbm>>) dst(%dma_wait3A_297 : memref<640x64xf32, #tpu.memory_space<vmem>>)
      %sub3A_301 = arith.constant 1 : i32
      %sub3A_302 = arith.subi %mul3A_182, %sub3A_301 : i32
      %scan3A_303 = arith.constant 0 : i32
      %scan3A_304 = arith.constant 0 : i32
      %scan3A_305 = arith.constant 32 : i32
      %scan3A_306 = arith.addi %scan3A_304, %scan3A_305 : i32
      %scan3A_307 = arith.constant 1 : i32
      scf.for %scan3A_392 = %scan3A_304 to %scan3A_306 step %scan3A_307  : i32 {
        %mul3A_393 = arith.constant 20 : i32
        %mul3A_394 = arith.muli %scan3A_392, %mul3A_393 : i32
        %mul3A_395 = arith.constant 32 : i32
        %mul3A_396 = arith.muli %sub3A_302, %mul3A_395 : i32
        %add3A_397 = arith.addi %mul3A_2, %mul3A_396 : i32
        %add3A_398 = arith.addi %add3A_397, %scan3A_392 : i32
        %dma_start3A_399 = arith.constant 1 : i32
        %dma_start3A_400 = arith.constant 0 : i32
        %dma_start3A_401 = tpu.memref_slice %arg6[%dma_start3A_399, %mul3A_394, %dma_start3A_400] : memref<2x640x64xf32, #tpu.memory_space<vmem>> -> memref<1x20x64xf32, #tpu.memory_space<vmem>>
        %dma_start3A_402 = tpu.memref_squeeze %dma_start3A_401 : memref<1x20x64xf32, #tpu.memory_space<vmem>> -> memref<20x64xf32, #tpu.memory_space<vmem>>
        %dma_start3A_403 = arith.constant 0 : i32
        %dma_start3A_404 = arith.constant 0 : i32
        %dma_start3A_405 = tpu.memref_slice %arg4[%add3A_398, %dma_start3A_403, %dma_start3A_404] : memref<16384x20x64xf32, #tpu.memory_space<hbm>> -> memref<1x20x64xf32, #tpu.memory_space<hbm>>
        %dma_start3A_406 = tpu.memref_squeeze %dma_start3A_405 : memref<1x20x64xf32, #tpu.memory_space<hbm>> -> memref<20x64xf32, #tpu.memory_space<hbm>>
        %dma_start3A_407 = arith.constant 0 : i32
        %dma_start3A_408 = arith.constant 0 : i32
        %dma_start3A_409 = tpu.memref_slice %arg4[%add3A_398, %dma_start3A_407, %dma_start3A_408] : memref<16384x20x64xf32, #tpu.memory_space<hbm>> -> memref<1x20x64xf32, #tpu.memory_space<hbm>>
        %dma_start3A_410 = tpu.memref_squeeze %dma_start3A_409 : memref<1x20x64xf32, #tpu.memory_space<hbm>> -> memref<20x64xf32, #tpu.memory_space<hbm>>
        %dma_start3A_411 = arith.constant 0 : i32
        %dma_start3A_412 = tpu.memref_slice %arg6[%dma_start3A_399, %mul3A_394, %dma_start3A_411] : memref<2x640x64xf32, #tpu.memory_space<vmem>> -> memref<1x20x64xf32, #tpu.memory_space<vmem>>
        %dma_start3A_413 = tpu.memref_squeeze %dma_start3A_412 : memref<1x20x64xf32, #tpu.memory_space<vmem>> -> memref<20x64xf32, #tpu.memory_space<vmem>>
        tpu.enqueue_dma source(%dma_start3A_413 : memref<20x64xf32, #tpu.memory_space<vmem>>) target(%dma_start3A_410 : memref<20x64xf32, #tpu.memory_space<hbm>>) target_semaphore(%arg10 : memref<!tpu.dma_semaphore, #tpu.memory_space<semaphore_mem>>)
      }
      %scan3A_308 = arith.constant 32 : i32
      %scan3A_309 = arith.constant 0 : i32
      %scan3A_310 = arith.constant 0 : i32
      %scan3A_311 = arith.constant 32 : i32
      %scan3A_312 = arith.addi %scan3A_310, %scan3A_311 : i32
      %scan3A_313 = arith.constant 1 : i32
      scf.for %scan3A_392 = %scan3A_310 to %scan3A_312 step %scan3A_313  : i32 {
        %dma_wait3A_393 = arith.constant 1 : i32
        %dma_wait3A_394 = arith.constant 0 : i32
        %dma_wait3A_395 = arith.constant 0 : i32
        %dma_wait3A_396 = tpu.memref_slice %arg6[%dma_wait3A_393, %dma_wait3A_394, %dma_wait3A_395] : memref<2x640x64xf32, #tpu.memory_space<vmem>> -> memref<1x20x64xf32, #tpu.memory_space<vmem>>
        %dma_wait3A_397 = tpu.memref_squeeze %dma_wait3A_396 : memref<1x20x64xf32, #tpu.memory_space<vmem>> -> memref<20x64xf32, #tpu.memory_space<vmem>>
        %dma_wait3A_398 = arith.constant 0 : i32
        %dma_wait3A_399 = arith.constant 0 : i32
        %dma_wait3A_400 = tpu.memref_slice %arg4[%mul3A_2, %dma_wait3A_398, %dma_wait3A_399] : memref<16384x20x64xf32, #tpu.memory_space<hbm>> -> memref<1x20x64xf32, #tpu.memory_space<hbm>>
        %dma_wait3A_401 = tpu.memref_squeeze %dma_wait3A_400 : memref<1x20x64xf32, #tpu.memory_space<hbm>> -> memref<20x64xf32, #tpu.memory_space<hbm>>
        %dma_wait3A_402 = arith.constant 0 : i32
        %dma_wait3A_403 = arith.constant 0 : i32
        %dma_wait3A_404 = tpu.memref_slice %arg4[%mul3A_2, %dma_wait3A_402, %dma_wait3A_403] : memref<16384x20x64xf32, #tpu.memory_space<hbm>> -> memref<1x20x64xf32, #tpu.memory_space<hbm>>
        %dma_wait3A_405 = tpu.memref_squeeze %dma_wait3A_404 : memref<1x20x64xf32, #tpu.memory_space<hbm>> -> memref<20x64xf32, #tpu.memory_space<hbm>>
        %dma_wait3A_406 = arith.constant 0 : i32
        %dma_wait3A_407 = arith.constant 0 : i32
        %dma_wait3A_408 = tpu.memref_slice %arg6[%dma_wait3A_393, %dma_wait3A_406, %dma_wait3A_407] : memref<2x640x64xf32, #tpu.memory_space<vmem>> -> memref<1x20x64xf32, #tpu.memory_space<vmem>>
        %dma_wait3A_409 = tpu.memref_squeeze %dma_wait3A_408 : memref<1x20x64xf32, #tpu.memory_space<vmem>> -> memref<20x64xf32, #tpu.memory_space<vmem>>
        tpu.wait_dma2 semaphore(%arg10 : memref<!tpu.dma_semaphore, #tpu.memory_space<semaphore_mem>>) src(%dma_wait3A_409 : memref<20x64xf32, #tpu.memory_space<vmem>>) dst(%dma_wait3A_405 : memref<20x64xf32, #tpu.memory_space<hbm>>)
      }
      %scan3A_314 = arith.constant 32 : i32
      %add3A_315 = arith.constant 1 : i32
      %add3A_316 = arith.addi %mul3A_182, %add3A_315 : i32
      %mul3A_317 = arith.constant 5 : i32
      %mul3A_318 = arith.muli %add3A_316, %mul3A_317 : i32
      %add3A_319 = arith.constant 0 : i32
      %add3A_320 = arith.addi %mul3A_318, %add3A_319 : i32
      %dma_start3A_321 = arith.constant 1 : i32
      %dma_start3A_322 = arith.constant 0 : i32
      %dma_start3A_323 = arith.constant 0 : i32
      %dma_start3A_324 = tpu.memref_slice %arg6[%dma_start3A_321, %dma_start3A_322, %dma_start3A_323] : memref<2x640x64xf32, #tpu.memory_space<vmem>> -> memref<1x128x64xf32, #tpu.memory_space<vmem>>
      %dma_start3A_325 = tpu.memref_squeeze %dma_start3A_324 : memref<1x128x64xf32, #tpu.memory_space<vmem>> -> memref<128x64xf32, #tpu.memory_space<vmem>>
      %dma_start3A_326 = arith.constant 0 : i32
      %dma_start3A_327 = tpu.memref_slice %arg5[%add3A_320, %dma_start3A_326] : memref<80x128xi32, #tpu.memory_space<vmem>> -> memref<1x128xi32, #tpu.memory_space<vmem>>
      %dma_start3A_328 = tpu.memref_squeeze %dma_start3A_327 : memref<1x128xi32, #tpu.memory_space<vmem>> -> memref<128xi32, #tpu.memory_space<vmem>>
      %dma_start3A_329 = arith.constant 0 : i32
      %dma_start3A_330 = arith.constant 0 : i32
      %dma_start3A_331 = tpu.memref_slice %arg3[%dma_start3A_329, %dma_start3A_330] : memref<1000000x64xf32, #tpu.memory_space<hbm>> -> memref<1000000x64xf32, #tpu.memory_space<hbm>>
      tpu.enqueue_indirect_dma source(%dma_start3A_331 : memref<1000000x64xf32, #tpu.memory_space<hbm>>) target(%dma_start3A_325 : memref<128x64xf32, #tpu.memory_space<vmem>>) offsets(%dma_start3A_328 : memref<128xi32, #tpu.memory_space<vmem>>) semaphore(%arg8 : memref<!tpu.dma_semaphore, #tpu.memory_space<semaphore_mem>>)
      %mul3A_332 = arith.constant 5 : i32
      %mul3A_333 = arith.muli %add3A_316, %mul3A_332 : i32
      %add3A_334 = arith.constant 1 : i32
      %add3A_335 = arith.addi %mul3A_333, %add3A_334 : i32
      %dma_start3A_336 = arith.constant 1 : i32
      %dma_start3A_337 = arith.constant 128 : i32
      %dma_start3A_338 = arith.constant 0 : i32
      %dma_start3A_339 = tpu.memref_slice %arg6[%dma_start3A_336, %dma_start3A_337, %dma_start3A_338] : memref<2x640x64xf32, #tpu.memory_space<vmem>> -> memref<1x128x64xf32, #tpu.memory_space<vmem>>
      %dma_start3A_340 = tpu.memref_squeeze %dma_start3A_339 : memref<1x128x64xf32, #tpu.memory_space<vmem>> -> memref<128x64xf32, #tpu.memory_space<vmem>>
      %dma_start3A_341 = arith.constant 0 : i32
      %dma_start3A_342 = tpu.memref_slice %arg5[%add3A_335, %dma_start3A_341] : memref<80x128xi32, #tpu.memory_space<vmem>> -> memref<1x128xi32, #tpu.memory_space<vmem>>
      %dma_start3A_343 = tpu.memref_squeeze %dma_start3A_342 : memref<1x128xi32, #tpu.memory_space<vmem>> -> memref<128xi32, #tpu.memory_space<vmem>>
      %dma_start3A_344 = arith.constant 0 : i32
      %dma_start3A_345 = arith.constant 0 : i32
      %dma_start3A_346 = tpu.memref_slice %arg3[%dma_start3A_344, %dma_start3A_345] : memref<1000000x64xf32, #tpu.memory_space<hbm>> -> memref<1000000x64xf32, #tpu.memory_space<hbm>>
      tpu.enqueue_indirect_dma source(%dma_start3A_346 : memref<1000000x64xf32, #tpu.memory_space<hbm>>) target(%dma_start3A_340 : memref<128x64xf32, #tpu.memory_space<vmem>>) offsets(%dma_start3A_343 : memref<128xi32, #tpu.memory_space<vmem>>) semaphore(%arg8 : memref<!tpu.dma_semaphore, #tpu.memory_space<semaphore_mem>>)
      %mul3A_347 = arith.constant 5 : i32
      %mul3A_348 = arith.muli %add3A_316, %mul3A_347 : i32
      %add3A_349 = arith.constant 2 : i32
      %add3A_350 = arith.addi %mul3A_348, %add3A_349 : i32
      %dma_start3A_351 = arith.constant 1 : i32
      %dma_start3A_352 = arith.constant 256 : i32
      %dma_start3A_353 = arith.constant 0 : i32
      %dma_start3A_354 = tpu.memref_slice %arg6[%dma_start3A_351, %dma_start3A_352, %dma_start3A_353] : memref<2x640x64xf32, #tpu.memory_space<vmem>> -> memref<1x128x64xf32, #tpu.memory_space<vmem>>
      %dma_start3A_355 = tpu.memref_squeeze %dma_start3A_354 : memref<1x128x64xf32, #tpu.memory_space<vmem>> -> memref<128x64xf32, #tpu.memory_space<vmem>>
      %dma_start3A_356 = arith.constant 0 : i32
      %dma_start3A_357 = tpu.memref_slice %arg5[%add3A_350, %dma_start3A_356] : memref<80x128xi32, #tpu.memory_space<vmem>> -> memref<1x128xi32, #tpu.memory_space<vmem>>
      %dma_start3A_358 = tpu.memref_squeeze %dma_start3A_357 : memref<1x128xi32, #tpu.memory_space<vmem>> -> memref<128xi32, #tpu.memory_space<vmem>>
      %dma_start3A_359 = arith.constant 0 : i32
      %dma_start3A_360 = arith.constant 0 : i32
      %dma_start3A_361 = tpu.memref_slice %arg3[%dma_start3A_359, %dma_start3A_360] : memref<1000000x64xf32, #tpu.memory_space<hbm>> -> memref<1000000x64xf32, #tpu.memory_space<hbm>>
      tpu.enqueue_indirect_dma source(%dma_start3A_361 : memref<1000000x64xf32, #tpu.memory_space<hbm>>) target(%dma_start3A_355 : memref<128x64xf32, #tpu.memory_space<vmem>>) offsets(%dma_start3A_358 : memref<128xi32, #tpu.memory_space<vmem>>) semaphore(%arg8 : memref<!tpu.dma_semaphore, #tpu.memory_space<semaphore_mem>>)
      %mul3A_362 = arith.constant 5 : i32
      %mul3A_363 = arith.muli %add3A_316, %mul3A_362 : i32
      %add3A_364 = arith.constant 3 : i32
      %add3A_365 = arith.addi %mul3A_363, %add3A_364 : i32
      %dma_start3A_366 = arith.constant 1 : i32
      %dma_start3A_367 = arith.constant 384 : i32
      %dma_start3A_368 = arith.constant 0 : i32
      %dma_start3A_369 = tpu.memref_slice %arg6[%dma_start3A_366, %dma_start3A_367, %dma_start3A_368] : memref<2x640x64xf32, #tpu.memory_space<vmem>> -> memref<1x128x64xf32, #tpu.memory_space<vmem>>
      %dma_start3A_370 = tpu.memref_squeeze %dma_start3A_369 : memref<1x128x64xf32, #tpu.memory_space<vmem>> -> memref<128x64xf32, #tpu.memory_space<vmem>>
      %dma_start3A_371 = arith.constant 0 : i32
      %dma_start3A_372 = tpu.memref_slice %arg5[%add3A_365, %dma_start3A_371] : memref<80x128xi32, #tpu.memory_space<vmem>> -> memref<1x128xi32, #tpu.memory_space<vmem>>
      %dma_start3A_373 = tpu.memref_squeeze %dma_start3A_372 : memref<1x128xi32, #tpu.memory_space<vmem>> -> memref<128xi32, #tpu.memory_space<vmem>>
      %dma_start3A_374 = arith.constant 0 : i32
      %dma_start3A_375 = arith.constant 0 : i32
      %dma_start3A_376 = tpu.memref_slice %arg3[%dma_start3A_374, %dma_start3A_375] : memref<1000000x64xf32, #tpu.memory_space<hbm>> -> memref<1000000x64xf32, #tpu.memory_space<hbm>>
      tpu.enqueue_indirect_dma source(%dma_start3A_376 : memref<1000000x64xf32, #tpu.memory_space<hbm>>) target(%dma_start3A_370 : memref<128x64xf32, #tpu.memory_space<vmem>>) offsets(%dma_start3A_373 : memref<128xi32, #tpu.memory_space<vmem>>) semaphore(%arg8 : memref<!tpu.dma_semaphore, #tpu.memory_space<semaphore_mem>>)
      %mul3A_377 = arith.constant 5 : i32
      %mul3A_378 = arith.muli %add3A_316, %mul3A_377 : i32
      %add3A_379 = arith.constant 4 : i32
      %add3A_380 = arith.addi %mul3A_378, %add3A_379 : i32
      %dma_start3A_381 = arith.constant 1 : i32
      %dma_start3A_382 = arith.constant 512 : i32
      %dma_start3A_383 = arith.constant 0 : i32
      %dma_start3A_384 = tpu.memref_slice %arg6[%dma_start3A_381, %dma_start3A_382, %dma_start3A_383] : memref<2x640x64xf32, #tpu.memory_space<vmem>> -> memref<1x128x64xf32, #tpu.memory_space<vmem>>
      %dma_start3A_385 = tpu.memref_squeeze %dma_start3A_384 : memref<1x128x64xf32, #tpu.memory_space<vmem>> -> memref<128x64xf32, #tpu.memory_space<vmem>>
      %dma_start3A_386 = arith.constant 0 : i32
      %dma_start3A_387 = tpu.memref_slice %arg5[%add3A_380, %dma_start3A_386] : memref<80x128xi32, #tpu.memory_space<vmem>> -> memref<1x128xi32, #tpu.memory_space<vmem>>
      %dma_start3A_388 = tpu.memref_squeeze %dma_start3A_387 : memref<1x128xi32, #tpu.memory_space<vmem>> -> memref<128xi32, #tpu.memory_space<vmem>>
      %dma_start3A_389 = arith.constant 0 : i32
      %dma_start3A_390 = arith.constant 0 : i32
      %dma_start3A_391 = tpu.memref_slice %arg3[%dma_start3A_389, %dma_start3A_390] : memref<1000000x64xf32, #tpu.memory_space<hbm>> -> memref<1000000x64xf32, #tpu.memory_space<hbm>>
      tpu.enqueue_indirect_dma source(%dma_start3A_391 : memref<1000000x64xf32, #tpu.memory_space<hbm>>) target(%dma_start3A_385 : memref<128x64xf32, #tpu.memory_space<vmem>>) offsets(%dma_start3A_388 : memref<128xi32, #tpu.memory_space<vmem>>) semaphore(%arg8 : memref<!tpu.dma_semaphore, #tpu.memory_space<semaphore_mem>>)
    }
    %scan3A_126 = arith.constant 7 : i32
    %dma_wait3A = arith.constant 0 : i32
    %dma_wait3A_127 = arith.constant 0 : i32
    %dma_wait3A_128 = arith.constant 0 : i32
    %dma_wait3A_129 = tpu.memref_slice %arg6[%dma_wait3A, %dma_wait3A_127, %dma_wait3A_128] : memref<2x640x64xf32, #tpu.memory_space<vmem>> -> memref<1x640x64xf32, #tpu.memory_space<vmem>>
    %dma_wait3A_130 = tpu.memref_squeeze %dma_wait3A_129 : memref<1x640x64xf32, #tpu.memory_space<vmem>> -> memref<640x64xf32, #tpu.memory_space<vmem>>
    %dma_wait3A_131 = arith.constant 0 : i32
    %dma_wait3A_132 = arith.constant 0 : i32
    %dma_wait3A_133 = tpu.memref_slice %arg3[%dma_wait3A_131, %dma_wait3A_132] : memref<1000000x64xf32, #tpu.memory_space<hbm>> -> memref<640x64xf32, #tpu.memory_space<hbm>>
    %dma_wait3A_134 = arith.constant 0 : i32
    %dma_wait3A_135 = arith.constant 0 : i32
    %dma_wait3A_136 = tpu.memref_slice %arg6[%dma_wait3A, %dma_wait3A_134, %dma_wait3A_135] : memref<2x640x64xf32, #tpu.memory_space<vmem>> -> memref<1x640x64xf32, #tpu.memory_space<vmem>>
    %dma_wait3A_137 = tpu.memref_squeeze %dma_wait3A_136 : memref<1x640x64xf32, #tpu.memory_space<vmem>> -> memref<640x64xf32, #tpu.memory_space<vmem>>
    %dma_wait3A_138 = arith.constant 0 : i32
    %dma_wait3A_139 = arith.constant 0 : i32
    %dma_wait3A_140 = tpu.memref_slice %arg3[%dma_wait3A_138, %dma_wait3A_139] : memref<1000000x64xf32, #tpu.memory_space<hbm>> -> memref<640x64xf32, #tpu.memory_space<hbm>>
    tpu.wait_dma2 semaphore(%arg7 : memref<!tpu.dma_semaphore, #tpu.memory_space<semaphore_mem>>) src(%dma_wait3A_140 : memref<640x64xf32, #tpu.memory_space<hbm>>) dst(%dma_wait3A_137 : memref<640x64xf32, #tpu.memory_space<vmem>>)
    %scan3A_141 = arith.constant 0 : i32
    %scan3A_142 = arith.constant 0 : i32
    %scan3A_143 = arith.constant 32 : i32
    %scan3A_144 = arith.addi %scan3A_142, %scan3A_143 : i32
    %scan3A_145 = arith.constant 1 : i32
    scf.for %scan3A_180 = %scan3A_142 to %scan3A_144 step %scan3A_145  : i32 {
      %mul3A_181 = arith.constant 20 : i32
      %mul3A_182 = arith.muli %scan3A_180, %mul3A_181 : i32
      %add3A_183 = arith.constant 448 : i32
      %add3A_184 = arith.addi %mul3A_2, %add3A_183 : i32
      %add3A_185 = arith.addi %add3A_184, %scan3A_180 : i32
      %dma_start3A_186 = arith.constant 0 : i32
      %dma_start3A_187 = arith.constant 0 : i32
      %dma_start3A_188 = tpu.memref_slice %arg6[%dma_start3A_186, %mul3A_182, %dma_start3A_187] : memref<2x640x64xf32, #tpu.memory_space<vmem>> -> memref<1x20x64xf32, #tpu.memory_space<vmem>>
      %dma_start3A_189 = tpu.memref_squeeze %dma_start3A_188 : memref<1x20x64xf32, #tpu.memory_space<vmem>> -> memref<20x64xf32, #tpu.memory_space<vmem>>
      %dma_start3A_190 = arith.constant 0 : i32
      %dma_start3A_191 = arith.constant 0 : i32
      %dma_start3A_192 = tpu.memref_slice %arg4[%add3A_185, %dma_start3A_190, %dma_start3A_191] : memref<16384x20x64xf32, #tpu.memory_space<hbm>> -> memref<1x20x64xf32, #tpu.memory_space<hbm>>
      %dma_start3A_193 = tpu.memref_squeeze %dma_start3A_192 : memref<1x20x64xf32, #tpu.memory_space<hbm>> -> memref<20x64xf32, #tpu.memory_space<hbm>>
      %dma_start3A_194 = arith.constant 0 : i32
      %dma_start3A_195 = arith.constant 0 : i32
      %dma_start3A_196 = tpu.memref_slice %arg4[%add3A_185, %dma_start3A_194, %dma_start3A_195] : memref<16384x20x64xf32, #tpu.memory_space<hbm>> -> memref<1x20x64xf32, #tpu.memory_space<hbm>>
      %dma_start3A_197 = tpu.memref_squeeze %dma_start3A_196 : memref<1x20x64xf32, #tpu.memory_space<hbm>> -> memref<20x64xf32, #tpu.memory_space<hbm>>
      %dma_start3A_198 = arith.constant 0 : i32
      %dma_start3A_199 = tpu.memref_slice %arg6[%dma_start3A_186, %mul3A_182, %dma_start3A_198] : memref<2x640x64xf32, #tpu.memory_space<vmem>> -> memref<1x20x64xf32, #tpu.memory_space<vmem>>
      %dma_start3A_200 = tpu.memref_squeeze %dma_start3A_199 : memref<1x20x64xf32, #tpu.memory_space<vmem>> -> memref<20x64xf32, #tpu.memory_space<vmem>>
      tpu.enqueue_dma source(%dma_start3A_200 : memref<20x64xf32, #tpu.memory_space<vmem>>) target(%dma_start3A_197 : memref<20x64xf32, #tpu.memory_space<hbm>>) target_semaphore(%arg9 : memref<!tpu.dma_semaphore, #tpu.memory_space<semaphore_mem>>)
    }
    %scan3A_146 = arith.constant 32 : i32
    %dma_wait3A_147 = arith.constant 1 : i32
    %dma_wait3A_148 = arith.constant 0 : i32
    %dma_wait3A_149 = arith.constant 0 : i32
    %dma_wait3A_150 = tpu.memref_slice %arg6[%dma_wait3A_147, %dma_wait3A_148, %dma_wait3A_149] : memref<2x640x64xf32, #tpu.memory_space<vmem>> -> memref<1x640x64xf32, #tpu.memory_space<vmem>>
    %dma_wait3A_151 = tpu.memref_squeeze %dma_wait3A_150 : memref<1x640x64xf32, #tpu.memory_space<vmem>> -> memref<640x64xf32, #tpu.memory_space<vmem>>
    %dma_wait3A_152 = arith.constant 0 : i32
    %dma_wait3A_153 = arith.constant 0 : i32
    %dma_wait3A_154 = tpu.memref_slice %arg3[%dma_wait3A_152, %dma_wait3A_153] : memref<1000000x64xf32, #tpu.memory_space<hbm>> -> memref<640x64xf32, #tpu.memory_space<hbm>>
    %dma_wait3A_155 = arith.constant 0 : i32
    %dma_wait3A_156 = arith.constant 0 : i32
    %dma_wait3A_157 = tpu.memref_slice %arg6[%dma_wait3A_147, %dma_wait3A_155, %dma_wait3A_156] : memref<2x640x64xf32, #tpu.memory_space<vmem>> -> memref<1x640x64xf32, #tpu.memory_space<vmem>>
    %dma_wait3A_158 = tpu.memref_squeeze %dma_wait3A_157 : memref<1x640x64xf32, #tpu.memory_space<vmem>> -> memref<640x64xf32, #tpu.memory_space<vmem>>
    %dma_wait3A_159 = arith.constant 0 : i32
    %dma_wait3A_160 = arith.constant 0 : i32
    %dma_wait3A_161 = tpu.memref_slice %arg3[%dma_wait3A_159, %dma_wait3A_160] : memref<1000000x64xf32, #tpu.memory_space<hbm>> -> memref<640x64xf32, #tpu.memory_space<hbm>>
    tpu.wait_dma2 semaphore(%arg8 : memref<!tpu.dma_semaphore, #tpu.memory_space<semaphore_mem>>) src(%dma_wait3A_161 : memref<640x64xf32, #tpu.memory_space<hbm>>) dst(%dma_wait3A_158 : memref<640x64xf32, #tpu.memory_space<vmem>>)
    %scan3A_162 = arith.constant 0 : i32
    %scan3A_163 = arith.constant 0 : i32
    %scan3A_164 = arith.constant 32 : i32
    %scan3A_165 = arith.addi %scan3A_163, %scan3A_164 : i32
    %scan3A_166 = arith.constant 1 : i32
    scf.for %scan3A_180 = %scan3A_163 to %scan3A_165 step %scan3A_166  : i32 {
      %mul3A_181 = arith.constant 20 : i32
      %mul3A_182 = arith.muli %scan3A_180, %mul3A_181 : i32
      %add3A_183 = arith.constant 480 : i32
      %add3A_184 = arith.addi %mul3A_2, %add3A_183 : i32
      %add3A_185 = arith.addi %add3A_184, %scan3A_180 : i32
      %dma_start3A_186 = arith.constant 1 : i32
      %dma_start3A_187 = arith.constant 0 : i32
      %dma_start3A_188 = tpu.memref_slice %arg6[%dma_start3A_186, %mul3A_182, %dma_start3A_187] : memref<2x640x64xf32, #tpu.memory_space<vmem>> -> memref<1x20x64xf32, #tpu.memory_space<vmem>>
      %dma_start3A_189 = tpu.memref_squeeze %dma_start3A_188 : memref<1x20x64xf32, #tpu.memory_space<vmem>> -> memref<20x64xf32, #tpu.memory_space<vmem>>
      %dma_start3A_190 = arith.constant 0 : i32
      %dma_start3A_191 = arith.constant 0 : i32
      %dma_start3A_192 = tpu.memref_slice %arg4[%add3A_185, %dma_start3A_190, %dma_start3A_191] : memref<16384x20x64xf32, #tpu.memory_space<hbm>> -> memref<1x20x64xf32, #tpu.memory_space<hbm>>
      %dma_start3A_193 = tpu.memref_squeeze %dma_start3A_192 : memref<1x20x64xf32, #tpu.memory_space<hbm>> -> memref<20x64xf32, #tpu.memory_space<hbm>>
      %dma_start3A_194 = arith.constant 0 : i32
      %dma_start3A_195 = arith.constant 0 : i32
      %dma_start3A_196 = tpu.memref_slice %arg4[%add3A_185, %dma_start3A_194, %dma_start3A_195] : memref<16384x20x64xf32, #tpu.memory_space<hbm>> -> memref<1x20x64xf32, #tpu.memory_space<hbm>>
      %dma_start3A_197 = tpu.memref_squeeze %dma_start3A_196 : memref<1x20x64xf32, #tpu.memory_space<hbm>> -> memref<20x64xf32, #tpu.memory_space<hbm>>
      %dma_start3A_198 = arith.constant 0 : i32
      %dma_start3A_199 = tpu.memref_slice %arg6[%dma_start3A_186, %mul3A_182, %dma_start3A_198] : memref<2x640x64xf32, #tpu.memory_space<vmem>> -> memref<1x20x64xf32, #tpu.memory_space<vmem>>
      %dma_start3A_200 = tpu.memref_squeeze %dma_start3A_199 : memref<1x20x64xf32, #tpu.memory_space<vmem>> -> memref<20x64xf32, #tpu.memory_space<vmem>>
      tpu.enqueue_dma source(%dma_start3A_200 : memref<20x64xf32, #tpu.memory_space<vmem>>) target(%dma_start3A_197 : memref<20x64xf32, #tpu.memory_space<hbm>>) target_semaphore(%arg10 : memref<!tpu.dma_semaphore, #tpu.memory_space<semaphore_mem>>)
    }
    %scan3A_167 = arith.constant 32 : i32
    %scan3A_168 = arith.constant 0 : i32
    %scan3A_169 = arith.constant 0 : i32
    %scan3A_170 = arith.constant 32 : i32
    %scan3A_171 = arith.addi %scan3A_169, %scan3A_170 : i32
    %scan3A_172 = arith.constant 1 : i32
    scf.for %scan3A_180 = %scan3A_169 to %scan3A_171 step %scan3A_172  : i32 {
      %dma_wait3A_181 = arith.constant 0 : i32
      %dma_wait3A_182 = arith.constant 0 : i32
      %dma_wait3A_183 = arith.constant 0 : i32
      %dma_wait3A_184 = tpu.memref_slice %arg6[%dma_wait3A_181, %dma_wait3A_182, %dma_wait3A_183] : memref<2x640x64xf32, #tpu.memory_space<vmem>> -> memref<1x20x64xf32, #tpu.memory_space<vmem>>
      %dma_wait3A_185 = tpu.memref_squeeze %dma_wait3A_184 : memref<1x20x64xf32, #tpu.memory_space<vmem>> -> memref<20x64xf32, #tpu.memory_space<vmem>>
      %dma_wait3A_186 = arith.constant 0 : i32
      %dma_wait3A_187 = arith.constant 0 : i32
      %dma_wait3A_188 = tpu.memref_slice %arg4[%mul3A_2, %dma_wait3A_186, %dma_wait3A_187] : memref<16384x20x64xf32, #tpu.memory_space<hbm>> -> memref<1x20x64xf32, #tpu.memory_space<hbm>>
      %dma_wait3A_189 = tpu.memref_squeeze %dma_wait3A_188 : memref<1x20x64xf32, #tpu.memory_space<hbm>> -> memref<20x64xf32, #tpu.memory_space<hbm>>
      %dma_wait3A_190 = arith.constant 0 : i32
      %dma_wait3A_191 = arith.constant 0 : i32
      %dma_wait3A_192 = tpu.memref_slice %arg4[%mul3A_2, %dma_wait3A_190, %dma_wait3A_191] : memref<16384x20x64xf32, #tpu.memory_space<hbm>> -> memref<1x20x64xf32, #tpu.memory_space<hbm>>
      %dma_wait3A_193 = tpu.memref_squeeze %dma_wait3A_192 : memref<1x20x64xf32, #tpu.memory_space<hbm>> -> memref<20x64xf32, #tpu.memory_space<hbm>>
      %dma_wait3A_194 = arith.constant 0 : i32
      %dma_wait3A_195 = arith.constant 0 : i32
      %dma_wait3A_196 = tpu.memref_slice %arg6[%dma_wait3A_181, %dma_wait3A_194, %dma_wait3A_195] : memref<2x640x64xf32, #tpu.memory_space<vmem>> -> memref<1x20x64xf32, #tpu.memory_space<vmem>>
      %dma_wait3A_197 = tpu.memref_squeeze %dma_wait3A_196 : memref<1x20x64xf32, #tpu.memory_space<vmem>> -> memref<20x64xf32, #tpu.memory_space<vmem>>
      tpu.wait_dma2 semaphore(%arg9 : memref<!tpu.dma_semaphore, #tpu.memory_space<semaphore_mem>>) src(%dma_wait3A_197 : memref<20x64xf32, #tpu.memory_space<vmem>>) dst(%dma_wait3A_193 : memref<20x64xf32, #tpu.memory_space<hbm>>)
    }
    %scan3A_173 = arith.constant 32 : i32
    %scan3A_174 = arith.constant 0 : i32
    %scan3A_175 = arith.constant 0 : i32
    %scan3A_176 = arith.constant 32 : i32
    %scan3A_177 = arith.addi %scan3A_175, %scan3A_176 : i32
    %scan3A_178 = arith.constant 1 : i32
    scf.for %scan3A_180 = %scan3A_175 to %scan3A_177 step %scan3A_178  : i32 {
      %dma_wait3A_181 = arith.constant 1 : i32
      %dma_wait3A_182 = arith.constant 0 : i32
      %dma_wait3A_183 = arith.constant 0 : i32
      %dma_wait3A_184 = tpu.memref_slice %arg6[%dma_wait3A_181, %dma_wait3A_182, %dma_wait3A_183] : memref<2x640x64xf32, #tpu.memory_space<vmem>> -> memref<1x20x64xf32, #tpu.memory_space<vmem>>
      %dma_wait3A_185 = tpu.memref_squeeze %dma_wait3A_184 : memref<1x20x64xf32, #tpu.memory_space<vmem>> -> memref<20x64xf32, #tpu.memory_space<vmem>>
      %dma_wait3A_186 = arith.constant 0 : i32
      %dma_wait3A_187 = arith.constant 0 : i32
      %dma_wait3A_188 = tpu.memref_slice %arg4[%mul3A_2, %dma_wait3A_186, %dma_wait3A_187] : memref<16384x20x64xf32, #tpu.memory_space<hbm>> -> memref<1x20x64xf32, #tpu.memory_space<hbm>>
      %dma_wait3A_189 = tpu.memref_squeeze %dma_wait3A_188 : memref<1x20x64xf32, #tpu.memory_space<hbm>> -> memref<20x64xf32, #tpu.memory_space<hbm>>
      %dma_wait3A_190 = arith.constant 0 : i32
      %dma_wait3A_191 = arith.constant 0 : i32
      %dma_wait3A_192 = tpu.memref_slice %arg4[%mul3A_2, %dma_wait3A_190, %dma_wait3A_191] : memref<16384x20x64xf32, #tpu.memory_space<hbm>> -> memref<1x20x64xf32, #tpu.memory_space<hbm>>
      %dma_wait3A_193 = tpu.memref_squeeze %dma_wait3A_192 : memref<1x20x64xf32, #tpu.memory_space<hbm>> -> memref<20x64xf32, #tpu.memory_space<hbm>>
      %dma_wait3A_194 = arith.constant 0 : i32
      %dma_wait3A_195 = arith.constant 0 : i32
      %dma_wait3A_196 = tpu.memref_slice %arg6[%dma_wait3A_181, %dma_wait3A_194, %dma_wait3A_195] : memref<2x640x64xf32, #tpu.memory_space<vmem>> -> memref<1x20x64xf32, #tpu.memory_space<vmem>>
      %dma_wait3A_197 = tpu.memref_squeeze %dma_wait3A_196 : memref<1x20x64xf32, #tpu.memory_space<vmem>> -> memref<20x64xf32, #tpu.memory_space<vmem>>
      tpu.wait_dma2 semaphore(%arg10 : memref<!tpu.dma_semaphore, #tpu.memory_space<semaphore_mem>>) src(%dma_wait3A_197 : memref<20x64xf32, #tpu.memory_space<vmem>>) dst(%dma_wait3A_193 : memref<20x64xf32, #tpu.memory_space<hbm>>)
    }
    %scan3A_179 = arith.constant 32 : i32
    return
  }
}

</mosaic_0001>

<sc_bundles>
// kernel: kernel.3.cloned.1.call-start
scs
__scs_entry_jumppad:
0x0: {  	(pc) =	sbr.rel $0x88, $3  }
0x1: {  	(tag) =	ssettag $0x0;
	lr =	simm.s32 $0x1  }
0x2: {  	[smem:$0x3F9F] =	sst lr;
	_ =	strace $0xD0000000  }
0x3: {  	_ = 	snop  }
0x4: {  	_ = 	snop  }
0x5: {  	_ = 	snop  }
0x6: {  	_ = 	snop  }
0x7: {  	_ = 	snop  }
__scs_overlays_trampoline_lowered:
0x8: {  	[smem:$0x3FAE] =	sst s0  }
0x9: {  	[smem:$0x3FAF] =	sst s1  }
0xa: {  	[smem:$0x3FB0] =	sst s2  }
0xb: {  	[smem:$0x3FB1] =	sst s3  }
0xc: {  	[smem:$0x3FB2] =	sst s4  }
0xd: {  	[smem:$0x3FB3] =	sst s5  }
0xe: {  	[smem:$0x3FB4] =	sst s6  }
0xf: {  	[smem:$0x3FB5] =	sst s7  }
0x10: {  	[smem:$0x3FB6] =	sst s8  }
0x11: {  	[smem:$0x3FB7] =	sst s9;
	s0 =	simm.s32 @!p0 $0x0  }
0x12: {  	s1 =	sld [smem:$0x3F9D];
	s0 =	simm.s32 @p0 $0x1  }
0x13: {  	[smem:$0x3FB8] =	sst s0;
	s0 =	simm.s32 @!p1 $0x0  }
0x14: {  	s2 =	sld [smem:$0x3F9C];
	s0 =	simm.s32 @p1 $0x1  }
0x15: {  	[smem:$0x3FB9] =	sst s0;
	s0 =	simm.s32 @!p2 $0x0  }
0x16: {  	s3 =	sld [smem:$0x3FDB];
	s0 =	simm.s32 @p2 $0x1  }
0x17: {  	s4 =	simm.s32 $0x1BF5;
	[smem:$0x3FBB] =	sst s0  }
0x18: {  	s0 =	sld [smem:$0x3F9E];
	_ =	swait.ge [sflag:s4], $0x0  }
0x19: {  	s7 =	sld [smem:$0x3F9F]  }
0x1a: {  	s8 =	sadd.s32 $0xFFFFE003, lr  }
0x1b: {  	s9 =	sadd.s32 $0xFFFFFEF7, lr;
	s5 =	simm.s32 $0xFFFFFFFF;
	p2 =	slt.u32 s8, $0xFFFFF086  }
0x1c: {  	p1 =	slt.u32 s9, $0xF7A;
	s5 =	simm.s32 @!p2 $0x0  }
0x1d: {  	s5 =	simm.s32 @p1 $0x1;
	p0 =	seq.s32 s7, s2  }
0x1e: {  	s7 =	smul.u32 @!p0 $0xF7A, s2;
	p2 =	seq.s32 @!p0 s5, $0x0  }
0x1f: {  	s9 =	smul.u32 $0xF7A, s1;
	s8 =	simm.s32 @!p0 $0x1BF5;
	p2 =	por !p2, p0  }
0x20: {  	[sflag:s8] =	ssyncset.s32 @!p0 $0xFFFFF086;
	s6 =	sadd.s32 @!p0 s3, s7;
	s7 =	simm.s32 @!p0 $0x108  }
0x21: {  	s3 =	sadd.s32 s3, s9;
	s6 =	sadd.s32 @!p0 $0x88, s6;
	s7 =	simm.s32 @p2 $0x1082  }
0x22: {  	[simem:s7], [sflag:s8] =	dma.local @!p0 [hbm:s6], $0xF7A  }
0x23: {  	s9 =	sor.u32 $0xD0000000, s2;
	s6 =	simm.s32 $0x108;
	_ =	swait.ge @!p0 [sflag:s8], $0x0  }
0x24: {  	s3 =	sadd.s32 $0x88, s3;
	s6 =	simm.s32 @!p1 $0x1082;
	[sflag:s4] =	ssyncset.s32 $0xFFFFF086  }
0x25: {  	[simem:s6], [sflag:s4] =	dma.local [hbm:s3], $0xF7A  }
0x26: {  	[smem:$0x3F9F] =	sst s1;
	(tag) =	ssettag s2;
	_ =	strace s9  }
0x27: {  	s1 =	sld [smem:$0x3FAF]  }
0x28: {  	s2 =	sld [smem:$0x3FB0]  }
0x29: {  	s4 =	sld [smem:$0x3FB2]  }
0x2a: {  	p0 =	seq.s32 s5, $0x0;
	s5 =	sld [smem:$0x3FB3]  }
0x2b: {  	s6 =	sld [smem:$0x3FB4]  }
0x2c: {  	s7 =	sld [smem:$0x3FB5]  }
0x2d: {  	s3 =	simm.s32 $0x108;
	s8 =	sld [smem:$0x3FB6]  }
0x2e: {  	s3 =	simm.s32 @!p0 $0x1082;
	s9 =	sld [smem:$0x3FB7]  }
0x2f: {  	lr =	sadd.s32 s0, s3;
	s0 =	sld [smem:$0x3FAE]  }
0x30: {  	s3 =	sld [smem:$0x3FB1]  }
0x31: {  	[smem:$0x3FBA] =	sst s10  }
0x32: {  	s10 =	sld [smem:$0x3FB8];
	_ =	sdelay $0x3  }
0x33: {  	p0 =	seq.s32 s10, $0x1;
	s10 =	sld [smem:$0x3FBA];
	_ =	sdelay $0x3  }
0x34: {  	[smem:$0x3FBA] =	sst s10  }
0x35: {  	s10 =	sld [smem:$0x3FB9];
	_ =	sdelay $0x3  }
0x36: {  	p1 =	seq.s32 s10, $0x1;
	s10 =	sld [smem:$0x3FBA];
	_ =	sdelay $0x3  }
0x37: {  	[smem:$0x3FBA] =	sst s10  }
0x38: {  	s10 =	sld [smem:$0x3FBB]  }
0x39: {  	_ = 	snop;
	(pc) =	sbr.ind lr, $3  }
0x3a: {  	_ = 	snop  }
0x3b: {  	_ = 	snop  }
0x3c: {  	p2 =	seq.s32 s10, $0x1;
	s10 =	sld [smem:$0x3FBA]  }
0x3d: {  	_ =	shalt  }
0x3e: {  	_ =	shalt  }
0x3f: {  	_ =	shalt  }
0x40: {  	_ =	shalt  }
0x41: {  	_ =	shalt  }
0x42: {  	_ =	shalt  }
0x43: {  	_ =	shalt  }
0x44: {  	_ =	shalt  }
0x45: {  	_ =	shalt  }
0x46: {  	_ =	shalt  }
0x47: {  	_ =	shalt  }
0x48: {  	_ =	shalt  }
0x49: {  	_ =	shalt  }
0x4a: {  	_ =	shalt  }
0x4b: {  	_ =	shalt  }
0x4c: {  	_ =	shalt  }
0x4d: {  	_ =	shalt  }
0x4e: {  	_ =	shalt  }
0x4f: {  	_ =	shalt  }
0x50: {  	_ =	shalt  }
0x51: {  	_ =	shalt  }
0x52: {  	_ =	shalt  }
0x53: {  	_ =	shalt  }
0x54: {  	_ =	shalt  }
0x55: {  	_ =	shalt  }
0x56: {  	_ =	shalt  }
0x57: {  	_ =	shalt  }
0x58: {  	_ =	shalt  }
0x59: {  	_ =	shalt  }
0x5a: {  	_ =	shalt  }
0x5b: {  	_ =	shalt  }
0x5c: {  	_ =	shalt  }
0x5d: {  	_ =	shalt  }
0x5e: {  	_ =	shalt  }
0x5f: {  	_ =	shalt  }
0x60: {  	_ =	shalt  }
0x61: {  	_ =	shalt  }
0x62: {  	_ =	shalt  }
0x63: {  	_ =	shalt  }
0x64: {  	_ =	shalt  }
0x65: {  	_ =	shalt  }
0x66: {  	_ =	shalt  }
0x67: {  	_ =	shalt  }
0x68: {  	_ =	shalt  }
0x69: {  	_ =	shalt  }
0x6a: {  	_ =	shalt  }
0x6b: {  	_ =	shalt  }
0x6c: {  	_ =	shalt  }
0x6d: {  	_ =	shalt  }
0x6e: {  	_ =	shalt  }
0x6f: {  	_ =	shalt  }
0x70: {  	_ =	shalt  }
0x71: {  	_ =	shalt  }
0x72: {  	_ =	shalt  }
0x73: {  	_ =	shalt  }
0x74: {  	_ =	shalt  }
0x75: {  	_ =	shalt  }
0x76: {  	_ =	shalt  }
0x77: {  	_ =	shalt  }
0x78: {  	_ =	shalt  }
0x79: {  	_ =	shalt  }
0x7a: {  	_ =	shalt  }
0x7b: {  	_ =	shalt  }
0x7c: {  	_ =	shalt  }
0x7d: {  	_ =	shalt  }
0x7e: {  	_ =	shalt  }
0x7f: {  	_ =	shalt  }
0x80: {  	_ =	shalt  }
0x81: {  	_ =	shalt  }
0x82: {  	_ =	shalt  }
0x83: {  	_ =	shalt  }
0x84: {  	_ =	shalt  }
0x85: {  	_ =	shalt  }
0x86: {  	_ =	shalt  }
0x87: {  	_ =	shalt  }
.Lfunc_end0:
.L_simem_size_0:
called_computation.1_lowered:
.L_overlay_start_0:
0x88: {  	s2 =	sld [smem:$0x3FD9]  }
0x89: {  	s3 =	sld [smem:$0x3FFE];
	_ =	sdelay $0x1  }
0x8a: {  	s1 =	srdreg.scid  }
0x8b: {  	s0 =	sand.u32 $0x1, s1  }
0x8c: {  	s17 =	sshll.u32 s0, $0xA;
	s2 =	sadd.s32 s3, s2  }
0x8d: {  	s2 =	sadd.s32 s2, s17  }
0x8e: {  	[smem:$0x3FC6] =	sst s2  }
0x8f: {  	_ = 	snop  }
0x90: {  	s2 =	sld [smem:$0x3FD0];
	(tm) =	ssettm $0x1  }
0x91: {  	s18 =	sld [smem:$0x3FFB];
	_ =	sdelay $0x3  }
0x92: {  	_ =	strace s18  }
0x93: {  	s3 =	sld [smem:$0x3FFC];
	_ =	sdelay $0x3  }
0x94: {  	_ =	strace s3  }
0x95: {  	s3 =	sld [smem:$0x3FFD];
	_ =	sdelay $0x3  }
0x96: {  	_ =	strace s3  }
0x97: {  	_ =	strace $0x8FFFFFFF  }
0x98: {  	s19 =	sld [smem:$0x3FDB];
	_ =	sdelay $0x1  }
0x99: {  	s4 =	simm.s32 $_scs_section_size  }
0x9a: {  	s5 =	simm.s32 $_size__tile_overlayer_lowered;
	s6 =	simm.s32 $_tile_overlayer_lowered  }
0x9b: {  	s22 =	simm.s32 $0x1BFF;
	s21 =	sshll.u32 s6, $0x1;
	s3 =	sadd.s32 s4, s19  }
0x9c: {  	s7 =	simm.s32 $0x0;
	s20 =	sshll.u32 s5, $0x1;
	s5 =	sadd.s32 s21, s3  }
0x9d: {  	[timem:s7], [sflag:s22] =	dma.local [hbm:s5], s20  }
0x9e: {  	_ =	swait.ge [sflag:s22], s20  }
0x9f: {  	s4 =	ssub.s32 $0x0, s20;
	[sflag:s22] =	ssyncset.done $0x0  }
0xa0: {  	[sflag:s22] =	ssyncadd.s32 s4;
	_ =	sdelay $0x1  }
0xa1: {  	s23 =	simm.s32 $0x1B8B  }
0xa2: {  	_ =	swait.ge [sflag:s23], $0x1  }
0xa3: {  	[sflag:s23] =	ssyncset.done $0x0  }
0xa4: {  	s25 =	simm.s32 $0x1B8E;
	s24 =	sld [smem:$0x3FFE];
	[sflag:s23] =	ssyncadd.s32 $0xFFFFFFFF  }
0xa5: {  	s26 =	simm.s32 $execute0_lowered;
	[smem:$0x3FD2] =	sst s25  }
0xa6: {  	s5 =	sshll.u32 s26, $0x1;
	_ =	strace $0x80000046;
	[dreg:$0x1] =	wrdreg $0xFFFFFFFF  }
0xa7: {  	s28 =	simm.s32 $_size_execute0_lowered;
	s3 =	sadd.s32 s3, s5;
	[dreg:$0x0] =	wrdreg $0x0  }
0xa8: {  	s5 =	sshll.u32 s28, $0x1;
	[dreg:$0x2] =	wrdreg s3  }
0xa9: {  	[dreg:$0x3] =	wrdreg s5  }
0xaa: {  	[dreg:$0x4] =	wrdreg $0xC0  }
0xab: {  	_ =	task [dreg:s7], $0x5FFFF  }
0xac: {  	[dreg:$0x1] =	wrdreg $0xFFFFFFFF  }
0xad: {  	[dreg:$0x0] =	wrdreg $0x60  }
0xae: {  	[dreg:$0x2] =	wrdreg s24  }
0xaf: {  	[dreg:$0x3] =	wrdreg s2  }
0xb0: {  	[dreg:$0x4] =	wrdreg $0x9  }
0xb1: {  	_ =	task.clear_ibuf [dreg:s7], $0x5FFFF;
	_ =	strace $0x90000046  }
0xb2: {  	s29 =	simm.s32 $0x9;
	_ =	strace $0x80000048  }
0xb3: {  	_ =	swait.ge [sflag:s29], $0x1  }
0xb4: {  	[sflag:s29] =	ssyncadd.s32 $0xFFFFFFFF  }
0xb5: {  	_ =	strace $0x90000048  }
0xb6: {  	_ =	sfence  }
0xb7: {  	s30 =	sld [smem:$0x0];
	_ =	sdelay $0x2  }
0xb8: {  	s31 =	sshll.u32 s1, $0xD;
	s1 =	sshrl.u32 s1, $0x2  }
0xb9: {  	s3 =	sand.u32 $0x4000, s31;
	s1 =	sadd.s32 s1, s30  }
0xba: {  	s0 =	sor.u32 s3, s0;
	s1 =	sshll.u32 s1, $0x11  }
0xbb: {  	s0 =	sor.u32 s1, s0  }
0xbc: {  	s0 =	sadd.s32 $0x8F2B, s0  }
0xbd: {  	[sflag:s0] =	ssyncadd.remote.s32 $0x1  }
0xbe: {  	_ =	sfence.sel $0xFFFF  }
0xbf: {  	[dreg:$0x0] =	wrdreg $0xFFFFFFFF;
	(pc) =	sbr.abs _section_cstart, $3  }
0xc0: {  	[dreg:$0x1] =	wrdreg $0xFFFFFFFF  }
0xc1: {  	_ =	task.clear_ibuf [dreg:s7], $0x2FFFF;
	_ =	strace $0x9FFFFFFF  }
0xc2: {  	(tm) =	ssettm $0x7FFFFFFF  }
0xc3: {  	_ =	shalt  }
tec
execute0_lowered:
.L_overlay_start_1:
0x0: {  	(tag) =	ssettag $0x1  }
0x1: {  	s0 =	srdreg.scid;
	s1 =	rddreg [dreg:$0x0]  }
0x2: {  	s9 =	stileid.u32;
	s4 =	rddreg [dreg:$0x1];
	s10 =	simm.s32 $0x5  }
0x3: {  	s11 =	simm.s32 $0x80;
	s12 =	simm.s32 $0x2800;
	s13 =	simm.s32 $0x4800  }
0x4: {  	s15 =	simm.s32 $0x6800;
	s17 =	simm.s32 $0x8800;
	s19 =	simm.s32 $0xA800  }
0x5: {  	s28 =	simm.s32 $0x12800;
	s30 =	simm.s32 $0x14800;
	s5 =	smul.u32 $0x140000, s9  }
0x6: {  	s31 =	simm.s32 $0x1;
	s0 =	sand.u32 $0x1, s0;
	s21 =	smul.u32 $0x28000, s9  }
0x7: {  	s14 =	simm.s32 $0x4;
	s2 =	sshll.u32 s9, $0x1;
	s7 =	smul.u32 $0xA0000, s0  }
0x8: {  	s3 =	sor.u32 s0, s2;
	s6 =	ssub.s32 $0x2, s0;
	s0 =	smul.u32 $0x14000, s0  }
0x9: {  	s16 =	simm.s32 $0x0;
	s2 =	simm.s32 $0x0;
	s3 =	smul.u32 $0x500, s3  }
0xa: {  	[smem:$0x7FF] =	sst s2;
	s20 =	sshrl.u32 s6, $0x1;
	s24 =	sadd.s32 s21, s4  }
0xb: {  	s21 =	simm.s32 $0xC800;
	_ =	strace $0x80000047;
	s5 =	sadd.s32 s7, s5  }
0xc: {  	s0 =	sadd.s32 s0, s24;
	s8 =	sadd.s32 s3, s1;
	s3 =	sadd.s32 $0xF42E00, s1  }
0xd: {  	s1 =	ssub.s32 s6, s20;
	s23 =	sshrl.u32 s5, $0x3;
	s25 =	sadd.s32 $0x8C000, s5  }
0xe: {  	s5 =	sadd.s32 $0x96000, s5;
	s18 =	sadd.s32 $0x1400, s0;
	s0 =	simm.s32 $0x2  }
0xf: {  	s22 =	sadd.s32 $0xA00, s8;
	s1 =	smax.u32 s1, $0x1;
	s20 =	sadd.s32 s23, s4  }
0x10: {  	s26 =	sshrl.u32 s25, $0x3;
	s29 =	sshrl.u32 s5, $0x3;
	[dreg:$0x3] =	wrdreg s22  }
0x11: {  	s23 =	simm.s32 $0xE800;
	s25 =	simm.s32 $0x10800;
	[dreg:$0x4] =	wrdreg s1  }
0x12: {  	s8 =	sadd.s32 s26, s4;
	s9 =	sadd.s32 s29, s4;
	s1 =	simm.s32 $0x3  }
.LBB2_1:
0x13: {  	s4 =	rddreg [dreg:$0x3]  }
0x14: {  	[tilespmem:s2], [sflag:$0x5] =	stream.linear.gather [hbm4b:s4+s2], $0x2800, $0x38;
	[tilespmem:$0x16800] =	vst v63  }
0x15: {  	_ =	swait.ge [sflag:s10], $0x2800  }
0x16: {  	[sflag:s10] =	ssyncset.done $0x0  }
0x17: {  	[sflag:s10] =	ssyncadd.s32 $0xFFFFD800  }
0x18: {  	[tilespmem:s12], [sflag:$0x1] =	stream.indirect.gather [hbm4b:s3+s11], $0x40, s2, s11, $0xb8;
	[tilespmem:$0x16800] =	vst v63  }
0x19: {  	_ = 	snop  }
0x1a: {  	[tilespmem:s13], [sflag:$0x1] =	stream.indirect.gather [hbm4b:s3+s11], $0x40, s11, s11, $0xb8;
	[tilespmem:$0x16800] =	vst v63  }
0x1b: {  	s29 =	simm.s32 $0x100  }
0x1c: {  	[tilespmem:s15], [sflag:$0x1] =	stream.indirect.gather [hbm4b:s3+s11], $0x40, s29, s11, $0xb8;
	[tilespmem:$0x16800] =	vst v63  }
0x1d: {  	s5 =	simm.s32 $0x180  }
0x1e: {  	[tilespmem:s17], [sflag:$0x1] =	stream.indirect.gather [hbm4b:s3+s11], $0x40, s5, s11, $0xb8;
	[tilespmem:$0x16800] =	vst v63  }
0x1f: {  	s6 =	simm.s32 $0x200  }
0x20: {  	[tilespmem:s19], [sflag:$0x1] =	stream.indirect.gather [hbm4b:s3+s11], $0x40, s6, s11, $0xb8;
	[tilespmem:$0x16800] =	vst v63  }
0x21: {  	s7 =	simm.s32 $0x280  }
0x22: {  	[tilespmem:s21], [sflag:$0x2] =	stream.indirect.gather [hbm4b:s3+s11], $0x40, s7, s11, $0xb8;
	[tilespmem:$0x16800] =	vst v63  }
0x23: {  	s22 =	simm.s32 $0x300  }
0x24: {  	[tilespmem:s23], [sflag:$0x2] =	stream.indirect.gather [hbm4b:s3+s11], $0x40, s22, s11, $0xb8;
	[tilespmem:$0x16800] =	vst v63  }
0x25: {  	s24 =	simm.s32 $0x380  }
0x26: {  	[tilespmem:s25], [sflag:$0x2] =	stream.indirect.gather [hbm4b:s3+s11], $0x40, s24, s11, $0xb8;
	[tilespmem:$0x16800] =	vst v63  }
0x27: {  	s26 =	simm.s32 $0x400;
	s29 =	simm.s32 $0x480  }
0x28: {  	[tilespmem:s28], [sflag:$0x2] =	stream.indirect.gather [hbm4b:s3+s11], $0x40, s26, s11, $0xb8;
	[tilespmem:$0x16800] =	vst v63  }
0x29: {  	s6 =	smov.u32 s20;
	s7 =	smov.u32 s18;
	s22 =	simm.s32 $0x1  }
0x2a: {  	[tilespmem:s30], [sflag:$0x2] =	stream.indirect.gather [hbm4b:s3+s11], $0x40, s29, s11, $0xb8;
	[tilespmem:$0x16800] =	vst v63  }
.LBB2_2:
0x2b: {  	_ =	swait.ge [sflag:s31], $0xA000  }
0x2c: {  	s24 =	simm.s32 $0x2800;
	s26 =	simm.s32 $0xA0;
	[sflag:s31] =	ssyncset.done $0x0  }
0x2d: {  	s4 =	sadd.s32 $0x0, s6;
	s29 =	simm.s32 $0x2D00;
	[sflag:s31] =	ssyncadd.s32 $0xFFFF6000  }
.LBB2_3:
0x2e: {  	[hbm4b:s4+s2] =	stream.linear.scatter [tilespmem:s24], [sflag:$0x3], $0x500, $0x38;
	[tilespmem:$0x16800] =	vst v63  }
0x2f: {  	s4 =	smov.u32 s26;
	s24 =	smov.u32 s29;
	p0 =	sne.s32 s26, $0x1360  }
.Ltmp0:
0x30: {  	s26 =	sadd.s32 $0xA0, s26;
	(pc) =	sbr.rel @p0 .LBB2_3-.Ltmp0, $2  }
0x31: {  	_ =	sdelay $0x2  }
0x32: {  	s29 =	sadd.s32 $0x500, s29;
	s4 =	sadd.s32 s4, s6  }
0x33: {  	[hbm4b:s4+s2] =	stream.linear.scatter [tilespmem:s24], [sflag:$0x3], $0x500, $0x38;
	[tilespmem:$0x16800] =	vst v63  }
0x34: {  	_ =	swait.ge [sflag:s1], $0x500  }
0x35: {  	[sflag:s1] =	ssyncset.done $0x0  }
0x36: {  	[sflag:s1] =	ssyncadd.s32 $0xFFFFFB00  }
0x37: {  	_ =	swait.ge [sflag:s1], $0x500  }
0x38: {  	[sflag:s1] =	ssyncset.done $0x0  }
0x39: {  	[sflag:s1] =	ssyncadd.s32 $0xFFFFFB00  }
0x3a: {  	_ =	swait.ge [sflag:s1], $0x500  }
0x3b: {  	[sflag:s1] =	ssyncset.done $0x0  }
0x3c: {  	[sflag:s1] =	ssyncadd.s32 $0xFFFFFB00  }
0x3d: {  	_ =	swait.ge [sflag:s1], $0x500  }
0x3e: {  	[sflag:s1] =	ssyncset.done $0x0  }
0x3f: {  	[sflag:s1] =	ssyncadd.s32 $0xFFFFFB00  }
0x40: {  	_ =	swait.ge [sflag:s1], $0x500  }
0x41: {  	[sflag:s1] =	ssyncset.done $0x0  }
0x42: {  	[sflag:s1] =	ssyncadd.s32 $0xFFFFFB00  }
0x43: {  	_ =	swait.ge [sflag:s1], $0x500  }
0x44: {  	[sflag:s1] =	ssyncset.done $0x0  }
0x45: {  	[sflag:s1] =	ssyncadd.s32 $0xFFFFFB00  }
0x46: {  	_ =	swait.ge [sflag:s1], $0x500  }
0x47: {  	[sflag:s1] =	ssyncset.done $0x0  }
0x48: {  	[sflag:s1] =	ssyncadd.s32 $0xFFFFFB00  }
0x49: {  	_ =	swait.ge [sflag:s1], $0x500  }
0x4a: {  	[sflag:s1] =	ssyncset.done $0x0  }
0x4b: {  	[sflag:s1] =	ssyncadd.s32 $0xFFFFFB00  }
0x4c: {  	_ =	swait.ge [sflag:s1], $0x500  }
0x4d: {  	[sflag:s1] =	ssyncset.done $0x0  }
0x4e: {  	[sflag:s1] =	ssyncadd.s32 $0xFFFFFB00  }
0x4f: {  	_ =	swait.ge [sflag:s1], $0x500  }
0x50: {  	[sflag:s1] =	ssyncset.done $0x0  }
0x51: {  	[sflag:s1] =	ssyncadd.s32 $0xFFFFFB00  }
0x52: {  	_ =	swait.ge [sflag:s1], $0x500  }
0x53: {  	[sflag:s1] =	ssyncset.done $0x0  }
0x54: {  	[sflag:s1] =	ssyncadd.s32 $0xFFFFFB00  }
0x55: {  	_ =	swait.ge [sflag:s1], $0x500  }
0x56: {  	[sflag:s1] =	ssyncset.done $0x0  }
0x57: {  	[sflag:s1] =	ssyncadd.s32 $0xFFFFFB00  }
0x58: {  	_ =	swait.ge [sflag:s1], $0x500  }
0x59: {  	[sflag:s1] =	ssyncset.done $0x0  }
0x5a: {  	[sflag:s1] =	ssyncadd.s32 $0xFFFFFB00  }
0x5b: {  	_ =	swait.ge [sflag:s1], $0x500  }
0x5c: {  	[sflag:s1] =	ssyncset.done $0x0  }
0x5d: {  	[sflag:s1] =	ssyncadd.s32 $0xFFFFFB00  }
0x5e: {  	_ =	swait.ge [sflag:s1], $0x500  }
0x5f: {  	[sflag:s1] =	ssyncset.done $0x0  }
0x60: {  	[sflag:s1] =	ssyncadd.s32 $0xFFFFFB00  }
0x61: {  	_ =	swait.ge [sflag:s1], $0x500  }
0x62: {  	[sflag:s1] =	ssyncset.done $0x0  }
0x63: {  	[sflag:s1] =	ssyncadd.s32 $0xFFFFFB00  }
0x64: {  	_ =	swait.ge [sflag:s1], $0x500  }
0x65: {  	[sflag:s1] =	ssyncset.done $0x0  }
0x66: {  	[sflag:s1] =	ssyncadd.s32 $0xFFFFFB00  }
0x67: {  	_ =	swait.ge [sflag:s1], $0x500  }
0x68: {  	[sflag:s1] =	ssyncset.done $0x0  }
0x69: {  	[sflag:s1] =	ssyncadd.s32 $0xFFFFFB00  }
0x6a: {  	_ =	swait.ge [sflag:s1], $0x500  }
0x6b: {  	[sflag:s1] =	ssyncset.done $0x0  }
0x6c: {  	[sflag:s1] =	ssyncadd.s32 $0xFFFFFB00  }
0x6d: {  	_ =	swait.ge [sflag:s1], $0x500  }
0x6e: {  	[sflag:s1] =	ssyncset.done $0x0  }
0x6f: {  	[sflag:s1] =	ssyncadd.s32 $0xFFFFFB00  }
0x70: {  	_ =	swait.ge [sflag:s1], $0x500  }
0x71: {  	[sflag:s1] =	ssyncset.done $0x0  }
0x72: {  	[sflag:s1] =	ssyncadd.s32 $0xFFFFFB00  }
0x73: {  	_ =	swait.ge [sflag:s1], $0x500  }
0x74: {  	[sflag:s1] =	ssyncset.done $0x0  }
0x75: {  	[sflag:s1] =	ssyncadd.s32 $0xFFFFFB00  }
0x76: {  	_ =	swait.ge [sflag:s1], $0x500  }
0x77: {  	[sflag:s1] =	ssyncset.done $0x0  }
0x78: {  	[sflag:s1] =	ssyncadd.s32 $0xFFFFFB00  }
0x79: {  	_ =	swait.ge [sflag:s1], $0x500  }
0x7a: {  	[sflag:s1] =	ssyncset.done $0x0  }
0x7b: {  	[sflag:s1] =	ssyncadd.s32 $0xFFFFFB00  }
0x7c: {  	_ =	swait.ge [sflag:s1], $0x500  }
0x7d: {  	[sflag:s1] =	ssyncset.done $0x0  }
0x7e: {  	[sflag:s1] =	ssyncadd.s32 $0xFFFFFB00  }
0x7f: {  	_ =	swait.ge [sflag:s1], $0x500  }
0x80: {  	[sflag:s1] =	ssyncset.done $0x0  }
0x81: {  	[sflag:s1] =	ssyncadd.s32 $0xFFFFFB00  }
0x82: {  	_ =	swait.ge [sflag:s1], $0x500  }
0x83: {  	[sflag:s1] =	ssyncset.done $0x0  }
0x84: {  	[sflag:s1] =	ssyncadd.s32 $0xFFFFFB00  }
0x85: {  	_ =	swait.ge [sflag:s1], $0x500  }
0x86: {  	[sflag:s1] =	ssyncset.done $0x0  }
0x87: {  	[sflag:s1] =	ssyncadd.s32 $0xFFFFFB00  }
0x88: {  	_ =	swait.ge [sflag:s1], $0x500  }
0x89: {  	[sflag:s1] =	ssyncset.done $0x0  }
0x8a: {  	[sflag:s1] =	ssyncadd.s32 $0xFFFFFB00  }
0x8b: {  	_ =	swait.ge [sflag:s1], $0x500  }
0x8c: {  	[sflag:s1] =	ssyncset.done $0x0  }
0x8d: {  	[sflag:s1] =	ssyncadd.s32 $0xFFFFFB00  }
0x8e: {  	_ =	swait.ge [sflag:s1], $0x500  }
0x8f: {  	[sflag:s1] =	ssyncset.done $0x0  }
0x90: {  	[sflag:s1] =	ssyncadd.s32 $0xFFFFFB00  }
0x91: {  	s24 =	smul.u32 $0x1400, s22;
	_ =	swait.ge [sflag:s1], $0x500  }
0x92: {  	[sflag:s1] =	ssyncset.done $0x0  }
0x93: {  	s24 =	sshra.s32 s24, $0x2;
	[sflag:s1] =	ssyncadd.s32 $0xFFFFFB00  }
0x94: {  	[tilespmem:s12], [sflag:$0x1] =	stream.indirect.gather [hbm4b:s3+s11], $0x40, s24, s11, $0xb8;
	[tilespmem:$0x16800] =	vst v63  }
0x95: {  	s4 =	sor.u32 $0x80, s24  }
0x96: {  	[tilespmem:s13], [sflag:$0x1] =	stream.indirect.gather [hbm4b:s3+s11], $0x40, s4, s11, $0xb8;
	[tilespmem:$0x16800] =	vst v63  }
0x97: {  	s26 =	sadd.s32 $0x100, s24  }
0x98: {  	[tilespmem:s15], [sflag:$0x1] =	stream.indirect.gather [hbm4b:s3+s11], $0x40, s26, s11, $0xb8;
	[tilespmem:$0x16800] =	vst v63  }
0x99: {  	s5 =	sadd.s32 $0x180, s24  }
0x9a: {  	[tilespmem:s17], [sflag:$0x1] =	stream.indirect.gather [hbm4b:s3+s11], $0x40, s5, s11, $0xb8;
	[tilespmem:$0x16800] =	vst v63  }
0x9b: {  	s26 =	sadd.s32 $0x200, s24  }
0x9c: {  	[tilespmem:s19], [sflag:$0x1] =	stream.indirect.gather [hbm4b:s3+s11], $0x40, s26, s11, $0xb8;
	[tilespmem:$0x16800] =	vst v63  }
0x9d: {  	_ =	swait.ge [sflag:s0], $0xA000  }
0x9e: {  	s29 =	simm.s32 $0xA0;
	s4 =	simm.s32 $0xCD00;
	[sflag:s0] =	ssyncset.done $0x0  }
0x9f: {  	s5 =	sadd.s32 $0x0, s7;
	s26 =	simm.s32 $0xC800;
	[sflag:s0] =	ssyncadd.s32 $0xFFFF6000  }
.LBB2_5:
0xa0: {  	[hbm4b:s5+s2] =	stream.linear.scatter [tilespmem:s26], [sflag:$0x4], $0x500, $0x38;
	[tilespmem:$0x16800] =	vst v63  }
0xa1: {  	s5 =	smov.u32 s29;
	s26 =	smov.u32 s4;
	p0 =	sne.s32 s29, $0x1360  }
.Ltmp1:
0xa2: {  	s29 =	sadd.s32 $0xA0, s29;
	(pc) =	sbr.rel @p0 .LBB2_5-.Ltmp1, $2  }
0xa3: {  	_ =	sdelay $0x2  }
0xa4: {  	s4 =	sadd.s32 $0x500, s4;
	s5 =	sadd.s32 s5, s7  }
0xa5: {  	[hbm4b:s5+s2] =	stream.linear.scatter [tilespmem:s26], [sflag:$0x4], $0x500, $0x38;
	[tilespmem:$0x16800] =	vst v63  }
0xa6: {  	_ =	swait.ge [sflag:s14], $0x500  }
0xa7: {  	[sflag:s14] =	ssyncset.done $0x0  }
0xa8: {  	[sflag:s14] =	ssyncadd.s32 $0xFFFFFB00  }
0xa9: {  	_ =	swait.ge [sflag:s14], $0x500  }
0xaa: {  	[sflag:s14] =	ssyncset.done $0x0  }
0xab: {  	[sflag:s14] =	ssyncadd.s32 $0xFFFFFB00  }
0xac: {  	_ =	swait.ge [sflag:s14], $0x500  }
0xad: {  	[sflag:s14] =	ssyncset.done $0x0  }
0xae: {  	[sflag:s14] =	ssyncadd.s32 $0xFFFFFB00  }
0xaf: {  	_ =	swait.ge [sflag:s14], $0x500  }
0xb0: {  	[sflag:s14] =	ssyncset.done $0x0  }
0xb1: {  	[sflag:s14] =	ssyncadd.s32 $0xFFFFFB00  }
0xb2: {  	_ =	swait.ge [sflag:s14], $0x500  }
0xb3: {  	[sflag:s14] =	ssyncset.done $0x0  }
0xb4: {  	[sflag:s14] =	ssyncadd.s32 $0xFFFFFB00  }
0xb5: {  	_ =	swait.ge [sflag:s14], $0x500  }
0xb6: {  	[sflag:s14] =	ssyncset.done $0x0  }
0xb7: {  	[sflag:s14] =	ssyncadd.s32 $0xFFFFFB00  }
0xb8: {  	_ =	swait.ge [sflag:s14], $0x500  }
0xb9: {  	[sflag:s14] =	ssyncset.done $0x0  }
0xba: {  	[sflag:s14] =	ssyncadd.s32 $0xFFFFFB00  }
0xbb: {  	_ =	swait.ge [sflag:s14], $0x500  }
0xbc: {  	[sflag:s14] =	ssyncset.done $0x0  }
0xbd: {  	[sflag:s14] =	ssyncadd.s32 $0xFFFFFB00  }
0xbe: {  	_ =	swait.ge [sflag:s14], $0x500  }
0xbf: {  	[sflag:s14] =	ssyncset.done $0x0  }
0xc0: {  	[sflag:s14] =	ssyncadd.s32 $0xFFFFFB00  }
0xc1: {  	_ =	swait.ge [sflag:s14], $0x500  }
0xc2: {  	[sflag:s14] =	ssyncset.done $0x0  }
0xc3: {  	[sflag:s14] =	ssyncadd.s32 $0xFFFFFB00  }
0xc4: {  	_ =	swait.ge [sflag:s14], $0x500  }
0xc5: {  	[sflag:s14] =	ssyncset.done $0x0  }
0xc6: {  	[sflag:s14] =	ssyncadd.s32 $0xFFFFFB00  }
0xc7: {  	_ =	swait.ge [sflag:s14], $0x500  }
0xc8: {  	[sflag:s14] =	ssyncset.done $0x0  }
0xc9: {  	[sflag:s14] =	ssyncadd.s32 $0xFFFFFB00  }
0xca: {  	_ =	swait.ge [sflag:s14], $0x500  }
0xcb: {  	[sflag:s14] =	ssyncset.done $0x0  }
0xcc: {  	[sflag:s14] =	ssyncadd.s32 $0xFFFFFB00  }
0xcd: {  	_ =	swait.ge [sflag:s14], $0x500  }
0xce: {  	[sflag:s14] =	ssyncset.done $0x0  }
0xcf: {  	[sflag:s14] =	ssyncadd.s32 $0xFFFFFB00  }
0xd0: {  	_ =	swait.ge [sflag:s14], $0x500  }
0xd1: {  	[sflag:s14] =	ssyncset.done $0x0  }
0xd2: {  	[sflag:s14] =	ssyncadd.s32 $0xFFFFFB00  }
0xd3: {  	_ =	swait.ge [sflag:s14], $0x500  }
0xd4: {  	[sflag:s14] =	ssyncset.done $0x0  }
0xd5: {  	[sflag:s14] =	ssyncadd.s32 $0xFFFFFB00  }
0xd6: {  	_ =	swait.ge [sflag:s14], $0x500  }
0xd7: {  	[sflag:s14] =	ssyncset.done $0x0  }
0xd8: {  	[sflag:s14] =	ssyncadd.s32 $0xFFFFFB00  }
0xd9: {  	_ =	swait.ge [sflag:s14], $0x500  }
0xda: {  	[sflag:s14] =	ssyncset.done $0x0  }
0xdb: {  	[sflag:s14] =	ssyncadd.s32 $0xFFFFFB00  }
0xdc: {  	_ =	swait.ge [sflag:s14], $0x500  }
0xdd: {  	[sflag:s14] =	ssyncset.done $0x0  }
0xde: {  	[sflag:s14] =	ssyncadd.s32 $0xFFFFFB00  }
0xdf: {  	_ =	swait.ge [sflag:s14], $0x500  }
0xe0: {  	[sflag:s14] =	ssyncset.done $0x0  }
0xe1: {  	[sflag:s14] =	ssyncadd.s32 $0xFFFFFB00  }
0xe2: {  	_ =	swait.ge [sflag:s14], $0x500  }
0xe3: {  	[sflag:s14] =	ssyncset.done $0x0  }
0xe4: {  	[sflag:s14] =	ssyncadd.s32 $0xFFFFFB00  }
0xe5: {  	_ =	swait.ge [sflag:s14], $0x500  }
0xe6: {  	[sflag:s14] =	ssyncset.done $0x0  }
0xe7: {  	[sflag:s14] =	ssyncadd.s32 $0xFFFFFB00  }
0xe8: {  	_ =	swait.ge [sflag:s14], $0x500  }
0xe9: {  	[sflag:s14] =	ssyncset.done $0x0  }
0xea: {  	[sflag:s14] =	ssyncadd.s32 $0xFFFFFB00  }
0xeb: {  	_ =	swait.ge [sflag:s14], $0x500  }
0xec: {  	[sflag:s14] =	ssyncset.done $0x0  }
0xed: {  	[sflag:s14] =	ssyncadd.s32 $0xFFFFFB00  }
0xee: {  	_ =	swait.ge [sflag:s14], $0x500  }
0xef: {  	[sflag:s14] =	ssyncset.done $0x0  }
0xf0: {  	[sflag:s14] =	ssyncadd.s32 $0xFFFFFB00  }
0xf1: {  	_ =	swait.ge [sflag:s14], $0x500  }
0xf2: {  	[sflag:s14] =	ssyncset.done $0x0  }
0xf3: {  	[sflag:s14] =	ssyncadd.s32 $0xFFFFFB00  }
0xf4: {  	_ =	swait.ge [sflag:s14], $0x500  }
0xf5: {  	[sflag:s14] =	ssyncset.done $0x0  }
0xf6: {  	[sflag:s14] =	ssyncadd.s32 $0xFFFFFB00  }
0xf7: {  	_ =	swait.ge [sflag:s14], $0x500  }
0xf8: {  	[sflag:s14] =	ssyncset.done $0x0  }
0xf9: {  	[sflag:s14] =	ssyncadd.s32 $0xFFFFFB00  }
0xfa: {  	_ =	swait.ge [sflag:s14], $0x500  }
0xfb: {  	[sflag:s14] =	ssyncset.done $0x0  }
0xfc: {  	[sflag:s14] =	ssyncadd.s32 $0xFFFFFB00  }
0xfd: {  	_ =	swait.ge [sflag:s14], $0x500  }
0xfe: {  	[sflag:s14] =	ssyncset.done $0x0  }
0xff: {  	[sflag:s14] =	ssyncadd.s32 $0xFFFFFB00  }
0x100: {  	_ =	swait.ge [sflag:s14], $0x500  }
0x101: {  	[sflag:s14] =	ssyncset.done $0x0  }
0x102: {  	[sflag:s14] =	ssyncadd.s32 $0xFFFFFB00  }
0x103: {  	_ =	swait.ge [sflag:s14], $0x500  }
0x104: {  	[sflag:s14] =	ssyncset.done $0x0  }
0x105: {  	s4 =	sadd.s32 $0x280, s24;
	[sflag:s14] =	ssyncadd.s32 $0xFFFFFB00  }
0x106: {  	[tilespmem:s21], [sflag:$0x2] =	stream.indirect.gather [hbm4b:s3+s11], $0x40, s4, s11, $0xb8;
	[tilespmem:$0x16800] =	vst v63  }
0x107: {  	s29 =	sadd.s32 $0x300, s24;
	s22 =	sadd.s32 $0x1, s22  }
0x108: {  	[tilespmem:s23], [sflag:$0x2] =	stream.indirect.gather [hbm4b:s3+s11], $0x40, s29, s11, $0xb8;
	[tilespmem:$0x16800] =	vst v63  }
0x109: {  	s5 =	sadd.s32 $0x380, s24;
	p0 =	sne.s32 s22, $0x8  }
0x10a: {  	[tilespmem:s25], [sflag:$0x2] =	stream.indirect.gather [hbm4b:s3+s11], $0x40, s5, s11, $0xb8;
	[tilespmem:$0x16800] =	vst v63  }
.Ltmp2:
0x10b: {  	_ = 	snop;
	(pc) =	sbr.rel @p0 .LBB2_2-.Ltmp2, $4  }
0x10c: {  	s26 =	sadd.s32 $0x400, s24  }
0x10d: {  	[tilespmem:s28], [sflag:$0x2] =	stream.indirect.gather [hbm4b:s3+s11], $0x40, s26, s11, $0xb8;
	[tilespmem:$0x16800] =	vst v63  }
0x10e: {  	s6 =	sadd.s32 $0x2800, s6;
	s7 =	sadd.s32 $0x2800, s7;
	s29 =	sadd.s32 $0x480, s24  }
0x10f: {  	[tilespmem:s30], [sflag:$0x2] =	stream.indirect.gather [hbm4b:s3+s11], $0x40, s29, s11, $0xb8;
	[tilespmem:$0x16800] =	vst v63  }
0x110: {  	_ =	swait.ge [sflag:s31], $0xA000  }
0x111: {  	s6 =	simm.s32 $0x2800;
	s7 =	simm.s32 $0xA0;
	[sflag:s31] =	ssyncset.done $0x0  }
0x112: {  	s5 =	sadd.s32 $0x0, s8;
	s4 =	simm.s32 $0x2D00;
	[sflag:s31] =	ssyncadd.s32 $0xFFFF6000  }
.LBB2_8:
0x113: {  	[hbm4b:s5+s2] =	stream.linear.scatter [tilespmem:s6], [sflag:$0x3], $0x500, $0x38;
	[tilespmem:$0x16800] =	vst v63  }
0x114: {  	s5 =	smov.u32 s7;
	s6 =	smov.u32 s4;
	p0 =	sne.s32 s7, $0x1360  }
.Ltmp3:
0x115: {  	s7 =	sadd.s32 $0xA0, s7;
	(pc) =	sbr.rel @p0 .LBB2_8-.Ltmp3, $2  }
0x116: {  	_ =	sdelay $0x2  }
0x117: {  	s4 =	sadd.s32 $0x500, s4;
	s5 =	sadd.s32 s5, s8  }
0x118: {  	[hbm4b:s5+s2] =	stream.linear.scatter [tilespmem:s6], [sflag:$0x3], $0x500, $0x38;
	[tilespmem:$0x16800] =	vst v63  }
0x119: {  	_ =	swait.ge [sflag:s0], $0xA000  }
0x11a: {  	s6 =	simm.s32 $0xC800;
	s7 =	simm.s32 $0xA0;
	[sflag:s0] =	ssyncset.done $0x0  }
0x11b: {  	s5 =	sadd.s32 $0x0, s9;
	s4 =	simm.s32 $0xCD00;
	[sflag:s0] =	ssyncadd.s32 $0xFFFF6000  }
.LBB2_10:
0x11c: {  	[hbm4b:s5+s2] =	stream.linear.scatter [tilespmem:s6], [sflag:$0x4], $0x500, $0x38;
	[tilespmem:$0x16800] =	vst v63  }
0x11d: {  	s5 =	smov.u32 s7;
	s6 =	smov.u32 s4;
	p0 =	sne.s32 s7, $0x1360  }
.Ltmp4:
0x11e: {  	s7 =	sadd.s32 $0xA0, s7;
	(pc) =	sbr.rel @p0 .LBB2_10-.Ltmp4, $2  }
0x11f: {  	_ =	sdelay $0x2  }
0x120: {  	s4 =	sadd.s32 $0x500, s4;
	s5 =	sadd.s32 s5, s9  }
0x121: {  	[hbm4b:s5+s2] =	stream.linear.scatter [tilespmem:s6], [sflag:$0x4], $0x500, $0x38;
	[tilespmem:$0x16800] =	vst v63  }
0x122: {  	_ =	swait.ge [sflag:s1], $0x500  }
0x123: {  	[sflag:s1] =	ssyncset.done $0x0  }
0x124: {  	[sflag:s1] =	ssyncadd.s32 $0xFFFFFB00  }
0x125: {  	_ =	swait.ge [sflag:s1], $0x500  }
0x126: {  	[sflag:s1] =	ssyncset.done $0x0  }
0x127: {  	[sflag:s1] =	ssyncadd.s32 $0xFFFFFB00  }
0x128: {  	_ =	swait.ge [sflag:s1], $0x500  }
0x129: {  	[sflag:s1] =	ssyncset.done $0x0  }
0x12a: {  	[sflag:s1] =	ssyncadd.s32 $0xFFFFFB00  }
0x12b: {  	_ =	swait.ge [sflag:s1], $0x500  }
0x12c: {  	[sflag:s1] =	ssyncset.done $0x0  }
0x12d: {  	[sflag:s1] =	ssyncadd.s32 $0xFFFFFB00  }
0x12e: {  	_ =	swait.ge [sflag:s1], $0x500  }
0x12f: {  	[sflag:s1] =	ssyncset.done $0x0  }
0x130: {  	[sflag:s1] =	ssyncadd.s32 $0xFFFFFB00  }
0x131: {  	_ =	swait.ge [sflag:s1], $0x500  }
0x132: {  	[sflag:s1] =	ssyncset.done $0x0  }
0x133: {  	[sflag:s1] =	ssyncadd.s32 $0xFFFFFB00  }
0x134: {  	_ =	swait.ge [sflag:s1], $0x500  }
0x135: {  	[sflag:s1] =	ssyncset.done $0x0  }
0x136: {  	[sflag:s1] =	ssyncadd.s32 $0xFFFFFB00  }
0x137: {  	_ =	swait.ge [sflag:s1], $0x500  }
0x138: {  	[sflag:s1] =	ssyncset.done $0x0  }
0x139: {  	[sflag:s1] =	ssyncadd.s32 $0xFFFFFB00  }
0x13a: {  	_ =	swait.ge [sflag:s1], $0x500  }
0x13b: {  	[sflag:s1] =	ssyncset.done $0x0  }
0x13c: {  	[sflag:s1] =	ssyncadd.s32 $0xFFFFFB00  }
0x13d: {  	_ =	swait.ge [sflag:s1], $0x500  }
0x13e: {  	[sflag:s1] =	ssyncset.done $0x0  }
0x13f: {  	[sflag:s1] =	ssyncadd.s32 $0xFFFFFB00  }
0x140: {  	_ =	swait.ge [sflag:s1], $0x500  }
0x141: {  	[sflag:s1] =	ssyncset.done $0x0  }
0x142: {  	[sflag:s1] =	ssyncadd.s32 $0xFFFFFB00  }
0x143: {  	_ =	swait.ge [sflag:s1], $0x500  }
0x144: {  	[sflag:s1] =	ssyncset.done $0x0  }
0x145: {  	[sflag:s1] =	ssyncadd.s32 $0xFFFFFB00  }
0x146: {  	_ =	swait.ge [sflag:s1], $0x500  }
0x147: {  	[sflag:s1] =	ssyncset.done $0x0  }
0x148: {  	[sflag:s1] =	ssyncadd.s32 $0xFFFFFB00  }
0x149: {  	_ =	swait.ge [sflag:s1], $0x500  }
0x14a: {  	[sflag:s1] =	ssyncset.done $0x0  }
0x14b: {  	[sflag:s1] =	ssyncadd.s32 $0xFFFFFB00  }
0x14c: {  	_ =	swait.ge [sflag:s1], $0x500  }
0x14d: {  	[sflag:s1] =	ssyncset.done $0x0  }
0x14e: {  	[sflag:s1] =	ssyncadd.s32 $0xFFFFFB00  }
0x14f: {  	_ =	swait.ge [sflag:s1], $0x500  }
0x150: {  	[sflag:s1] =	ssyncset.done $0x0  }
0x151: {  	[sflag:s1] =	ssyncadd.s32 $0xFFFFFB00  }
0x152: {  	_ =	swait.ge [sflag:s1], $0x500  }
0x153: {  	[sflag:s1] =	ssyncset.done $0x0  }
0x154: {  	[sflag:s1] =	ssyncadd.s32 $0xFFFFFB00  }
0x155: {  	_ =	swait.ge [sflag:s1], $0x500  }
0x156: {  	[sflag:s1] =	ssyncset.done $0x0  }
0x157: {  	[sflag:s1] =	ssyncadd.s32 $0xFFFFFB00  }
0x158: {  	_ =	swait.ge [sflag:s1], $0x500  }
0x159: {  	[sflag:s1] =	ssyncset.done $0x0  }
0x15a: {  	[sflag:s1] =	ssyncadd.s32 $0xFFFFFB00  }
0x15b: {  	_ =	swait.ge [sflag:s1], $0x500  }
0x15c: {  	[sflag:s1] =	ssyncset.done $0x0  }
0x15d: {  	[sflag:s1] =	ssyncadd.s32 $0xFFFFFB00  }
0x15e: {  	_ =	swait.ge [sflag:s1], $0x500  }
0x15f: {  	[sflag:s1] =	ssyncset.done $0x0  }
0x160: {  	[sflag:s1] =	ssyncadd.s32 $0xFFFFFB00  }
0x161: {  	_ =	swait.ge [sflag:s1], $0x500  }
0x162: {  	[sflag:s1] =	ssyncset.done $0x0  }
0x163: {  	[sflag:s1] =	ssyncadd.s32 $0xFFFFFB00  }
0x164: {  	_ =	swait.ge [sflag:s1], $0x500  }
0x165: {  	[sflag:s1] =	ssyncset.done $0x0  }
0x166: {  	[sflag:s1] =	ssyncadd.s32 $0xFFFFFB00  }
0x167: {  	_ =	swait.ge [sflag:s1], $0x500  }
0x168: {  	[sflag:s1] =	ssyncset.done $0x0  }
0x169: {  	[sflag:s1] =	ssyncadd.s32 $0xFFFFFB00  }
0x16a: {  	_ =	swait.ge [sflag:s1], $0x500  }
0x16b: {  	[sflag:s1] =	ssyncset.done $0x0  }
0x16c: {  	[sflag:s1] =	ssyncadd.s32 $0xFFFFFB00  }
0x16d: {  	_ =	swait.ge [sflag:s1], $0x500  }
0x16e: {  	[sflag:s1] =	ssyncset.done $0x0  }
0x16f: {  	[sflag:s1] =	ssyncadd.s32 $0xFFFFFB00  }
0x170: {  	_ =	swait.ge [sflag:s1], $0x500  }
0x171: {  	[sflag:s1] =	ssyncset.done $0x0  }
0x172: {  	[sflag:s1] =	ssyncadd.s32 $0xFFFFFB00  }
0x173: {  	_ =	swait.ge [sflag:s1], $0x500  }
0x174: {  	[sflag:s1] =	ssyncset.done $0x0  }
0x175: {  	[sflag:s1] =	ssyncadd.s32 $0xFFFFFB00  }
0x176: {  	_ =	swait.ge [sflag:s1], $0x500  }
0x177: {  	[sflag:s1] =	ssyncset.done $0x0  }
0x178: {  	[sflag:s1] =	ssyncadd.s32 $0xFFFFFB00  }
0x179: {  	_ =	swait.ge [sflag:s1], $0x500  }
0x17a: {  	[sflag:s1] =	ssyncset.done $0x0  }
0x17b: {  	[sflag:s1] =	ssyncadd.s32 $0xFFFFFB00  }
0x17c: {  	_ =	swait.ge [sflag:s1], $0x500  }
0x17d: {  	[sflag:s1] =	ssyncset.done $0x0  }
0x17e: {  	[sflag:s1] =	ssyncadd.s32 $0xFFFFFB00  }
0x17f: {  	_ =	swait.ge [sflag:s1], $0x500  }
0x180: {  	[sflag:s1] =	ssyncset.done $0x0  }
0x181: {  	[sflag:s1] =	ssyncadd.s32 $0xFFFFFB00  }
0x182: {  	_ =	swait.ge [sflag:s14], $0x500  }
0x183: {  	[sflag:s14] =	ssyncset.done $0x0  }
0x184: {  	[sflag:s14] =	ssyncadd.s32 $0xFFFFFB00  }
0x185: {  	_ =	swait.ge [sflag:s14], $0x500  }
0x186: {  	[sflag:s14] =	ssyncset.done $0x0  }
0x187: {  	[sflag:s14] =	ssyncadd.s32 $0xFFFFFB00  }
0x188: {  	_ =	swait.ge [sflag:s14], $0x500  }
0x189: {  	[sflag:s14] =	ssyncset.done $0x0  }
0x18a: {  	[sflag:s14] =	ssyncadd.s32 $0xFFFFFB00  }
0x18b: {  	_ =	swait.ge [sflag:s14], $0x500  }
0x18c: {  	[sflag:s14] =	ssyncset.done $0x0  }
0x18d: {  	[sflag:s14] =	ssyncadd.s32 $0xFFFFFB00  }
0x18e: {  	_ =	swait.ge [sflag:s14], $0x500  }
0x18f: {  	[sflag:s14] =	ssyncset.done $0x0  }
0x190: {  	[sflag:s14] =	ssyncadd.s32 $0xFFFFFB00  }
0x191: {  	_ =	swait.ge [sflag:s14], $0x500  }
0x192: {  	[sflag:s14] =	ssyncset.done $0x0  }
0x193: {  	[sflag:s14] =	ssyncadd.s32 $0xFFFFFB00  }
0x194: {  	_ =	swait.ge [sflag:s14], $0x500  }
0x195: {  	[sflag:s14] =	ssyncset.done $0x0  }
0x196: {  	[sflag:s14] =	ssyncadd.s32 $0xFFFFFB00  }
0x197: {  	_ =	swait.ge [sflag:s14], $0x500  }
0x198: {  	[sflag:s14] =	ssyncset.done $0x0  }
0x199: {  	[sflag:s14] =	ssyncadd.s32 $0xFFFFFB00  }
0x19a: {  	_ =	swait.ge [sflag:s14], $0x500  }
0x19b: {  	[sflag:s14] =	ssyncset.done $0x0  }
0x19c: {  	[sflag:s14] =	ssyncadd.s32 $0xFFFFFB00  }
0x19d: {  	_ =	swait.ge [sflag:s14], $0x500  }
0x19e: {  	[sflag:s14] =	ssyncset.done $0x0  }
0x19f: {  	[sflag:s14] =	ssyncadd.s32 $0xFFFFFB00  }
0x1a0: {  	_ =	swait.ge [sflag:s14], $0x500  }
0x1a1: {  	[sflag:s14] =	ssyncset.done $0x0  }
0x1a2: {  	[sflag:s14] =	ssyncadd.s32 $0xFFFFFB00  }
0x1a3: {  	_ =	swait.ge [sflag:s14], $0x500  }
0x1a4: {  	[sflag:s14] =	ssyncset.done $0x0  }
0x1a5: {  	[sflag:s14] =	ssyncadd.s32 $0xFFFFFB00  }
0x1a6: {  	_ =	swait.ge [sflag:s14], $0x500  }
0x1a7: {  	[sflag:s14] =	ssyncset.done $0x0  }
0x1a8: {  	[sflag:s14] =	ssyncadd.s32 $0xFFFFFB00  }
0x1a9: {  	_ =	swait.ge [sflag:s14], $0x500  }
0x1aa: {  	[sflag:s14] =	ssyncset.done $0x0  }
0x1ab: {  	[sflag:s14] =	ssyncadd.s32 $0xFFFFFB00  }
0x1ac: {  	_ =	swait.ge [sflag:s14], $0x500  }
0x1ad: {  	[sflag:s14] =	ssyncset.done $0x0  }
0x1ae: {  	[sflag:s14] =	ssyncadd.s32 $0xFFFFFB00  }
0x1af: {  	_ =	swait.ge [sflag:s14], $0x500  }
0x1b0: {  	[sflag:s14] =	ssyncset.done $0x0  }
0x1b1: {  	[sflag:s14] =	ssyncadd.s32 $0xFFFFFB00  }
0x1b2: {  	_ =	swait.ge [sflag:s14], $0x500  }
0x1b3: {  	[sflag:s14] =	ssyncset.done $0x0  }
0x1b4: {  	[sflag:s14] =	ssyncadd.s32 $0xFFFFFB00  }
0x1b5: {  	_ =	swait.ge [sflag:s14], $0x500  }
0x1b6: {  	[sflag:s14] =	ssyncset.done $0x0  }
0x1b7: {  	[sflag:s14] =	ssyncadd.s32 $0xFFFFFB00  }
0x1b8: {  	_ =	swait.ge [sflag:s14], $0x500  }
0x1b9: {  	[sflag:s14] =	ssyncset.done $0x0  }
0x1ba: {  	[sflag:s14] =	ssyncadd.s32 $0xFFFFFB00  }
0x1bb: {  	_ =	swait.ge [sflag:s14], $0x500  }
0x1bc: {  	[sflag:s14] =	ssyncset.done $0x0  }
0x1bd: {  	[sflag:s14] =	ssyncadd.s32 $0xFFFFFB00  }
0x1be: {  	_ =	swait.ge [sflag:s14], $0x500  }
0x1bf: {  	[sflag:s14] =	ssyncset.done $0x0  }
0x1c0: {  	[sflag:s14] =	ssyncadd.s32 $0xFFFFFB00  }
0x1c1: {  	_ =	swait.ge [sflag:s14], $0x500  }
0x1c2: {  	[sflag:s14] =	ssyncset.done $0x0  }
0x1c3: {  	[sflag:s14] =	ssyncadd.s32 $0xFFFFFB00  }
0x1c4: {  	_ =	swait.ge [sflag:s14], $0x500  }
0x1c5: {  	[sflag:s14] =	ssyncset.done $0x0  }
0x1c6: {  	[sflag:s14] =	ssyncadd.s32 $0xFFFFFB00  }
0x1c7: {  	_ =	swait.ge [sflag:s14], $0x500  }
0x1c8: {  	[sflag:s14] =	ssyncset.done $0x0  }
0x1c9: {  	[sflag:s14] =	ssyncadd.s32 $0xFFFFFB00  }
0x1ca: {  	_ =	swait.ge [sflag:s14], $0x500  }
0x1cb: {  	[sflag:s14] =	ssyncset.done $0x0  }
0x1cc: {  	[sflag:s14] =	ssyncadd.s32 $0xFFFFFB00  }
0x1cd: {  	_ =	swait.ge [sflag:s14], $0x500  }
0x1ce: {  	[sflag:s14] =	ssyncset.done $0x0  }
0x1cf: {  	[sflag:s14] =	ssyncadd.s32 $0xFFFFFB00  }
0x1d0: {  	_ =	swait.ge [sflag:s14], $0x500  }
0x1d1: {  	[sflag:s14] =	ssyncset.done $0x0  }
0x1d2: {  	[sflag:s14] =	ssyncadd.s32 $0xFFFFFB00  }
0x1d3: {  	_ =	swait.ge [sflag:s14], $0x500  }
0x1d4: {  	[sflag:s14] =	ssyncset.done $0x0  }
0x1d5: {  	[sflag:s14] =	ssyncadd.s32 $0xFFFFFB00  }
0x1d6: {  	_ =	swait.ge [sflag:s14], $0x500  }
0x1d7: {  	[sflag:s14] =	ssyncset.done $0x0  }
0x1d8: {  	[sflag:s14] =	ssyncadd.s32 $0xFFFFFB00  }
0x1d9: {  	_ =	swait.ge [sflag:s14], $0x500  }
0x1da: {  	[sflag:s14] =	ssyncset.done $0x0  }
0x1db: {  	[sflag:s14] =	ssyncadd.s32 $0xFFFFFB00  }
0x1dc: {  	_ =	swait.ge [sflag:s14], $0x500  }
0x1dd: {  	[sflag:s14] =	ssyncset.done $0x0  }
0x1de: {  	[sflag:s14] =	ssyncadd.s32 $0xFFFFFB00  }
0x1df: {  	_ =	swait.ge [sflag:s14], $0x500  }
0x1e0: {  	s16 =	sadd.s32 $0x1, s16;
	s4 =	rddreg [dreg:$0x4]  }
0x1e1: {  	p0 =	sne.s32 s16, s4  }
.Ltmp5:
0x1e2: {  	_ = 	snop;
	(pc) =	sbr.rel @p0 .LBB2_1-.Ltmp5, $3  }
0x1e3: {  	_ =	sdelay $0x1  }
0x1e4: {  	[sflag:s14] =	ssyncset.done $0x0  }
0x1e5: {  	[sflag:s14] =	ssyncadd.s32 $0xFFFFFB00  }
0x1e6: {  	_ =	sfence.sel $0x180000  }
0x1e7: {  	[bflag:$0x0] =	sbarrier.arrive $0xFFFF  }
0x1e8: {  	_ =	strace $0x90000047  }
0x1e9: {  	s0 =	stileid.u32;
	[bflag:$0x2] =	sbarrier.arrive $0xFFFF  }
0x1ea: {  	p0 =	sne.s32 s0, $0x0;
	s0 =	rddreg [dreg:$0x2]  }
0x1eb: {  	s0 =	sadd.s32 @!p0 $0x100000, s0  }
0x1ec: {  	[sflag:s0] =	ssyncadd.tile.s32 @!p0 $0x1;
	_ =	shalt  }
.Lfunc_end2:
_tile_overlayer_lowered:
.L_overlay_start_2:
0x1ed: {  	(tag) =	ssettag $0x2  }
0x1ee: {  	s0 =	rddreg [dreg:$0x0];
	s2 =	stileid.u32  }
0x1ef: {  	s1 =	rddreg [dreg:$0x1];
	p0 =	sne.s32 s2, $0x0  }
0x1f0: {  	s3 =	rddreg [dreg:$0x2];
	[bflag:$0x3] =	sbarrier.arrive $0xFFFF;
	s2 =	simm.s32 @!p0 $0x1C05  }
0x1f1: {  	[timem:s3], [sflag:s2] =	dma.local @!p0 [hbm:s0], s1  }
0x1f2: {  	s0 =	simm.s32 @!p0 $0x5  }
0x1f3: {  	_ =	swait.ge @!p0 [sflag:s0], s1  }
0x1f4: {  	s1 =	ssub.s32 @!p0 $0x0, s1;
	[sflag:s0] =	ssyncset.done @!p0 $0x0  }
0x1f5: {  	[sflag:s0] =	ssyncadd.s32 @!p0 s1  }
0x1f6: {  	[bflag:$0x3] =	sbarrier.arrive $0xFFFF  }
0x1f7: {  	_ =	shalt  }

// kernel: sparse-core-data-format-call.cloned.1.call-start
scs
called_computation_lowered:
.L_overlay_start_0:
0x0: {  	s2 =	sld [smem:$0x3FD9]  }
0x1: {  	s3 =	sld [smem:$0x3FFE];
	_ =	sdelay $0x1  }
0x2: {  	s1 =	srdreg.scid  }
0x3: {  	s0 =	sand.u32 $0x1, s1  }
0x4: {  	s18 =	sshll.u32 s0, $0xA;
	s2 =	sadd.s32 s3, s2  }
0x5: {  	s2 =	sadd.s32 s2, s18  }
0x6: {  	[smem:$0x3FC6] =	sst s2  }
0x7: {  	_ = 	snop  }
0x8: {  	s2 =	sld [smem:$0x3FD0];
	(tm) =	ssettm $0x1  }
0x9: {  	s19 =	sld [smem:$0x3FFB];
	_ =	sdelay $0x3  }
0xa: {  	_ =	strace s19  }
0xb: {  	s3 =	sld [smem:$0x3FFC];
	_ =	sdelay $0x3  }
0xc: {  	_ =	strace s3  }
0xd: {  	s3 =	sld [smem:$0x3FFD];
	_ =	sdelay $0x3  }
0xe: {  	_ =	strace s3  }
0xf: {  	_ =	strace $0x8FFFFFFF  }
0x10: {  	s20 =	sld [smem:$0x3FDB];
	_ =	sdelay $0x1  }
0x11: {  	s4 =	simm.s32 $_scs_section_size  }
0x12: {  	s5 =	simm.s32 $_size__tile_overlayer_lowered;
	s6 =	simm.s32 $_tile_overlayer_lowered  }
0x13: {  	s23 =	simm.s32 $0x1BFF;
	s22 =	sshll.u32 s6, $0x1;
	s3 =	sadd.s32 s4, s20  }
0x14: {  	s7 =	simm.s32 $0x0;
	s21 =	sshll.u32 s5, $0x1;
	s5 =	sadd.s32 s22, s3  }
0x15: {  	[timem:s7], [sflag:s23] =	dma.local [hbm:s5], s21  }
0x16: {  	_ =	swait.ge [sflag:s23], s21  }
0x17: {  	s4 =	ssub.s32 $0x0, s21;
	[sflag:s23] =	ssyncset.done $0x0  }
0x18: {  	[sflag:s23] =	ssyncadd.s32 s4;
	_ =	sdelay $0x1  }
0x19: {  	s24 =	simm.s32 $0x1B8B  }
0x1a: {  	_ =	swait.ge [sflag:s24], $0x1  }
0x1b: {  	[sflag:s24] =	ssyncset.done $0x0  }
0x1c: {  	s26 =	simm.s32 $0x1B8E;
	s25 =	sld [smem:$0x3FFE];
	[sflag:s24] =	ssyncadd.s32 $0xFFFFFFFF  }
0x1d: {  	s27 =	simm.s32 $execute0_lowered;
	[smem:$0x3FD2] =	sst s26  }
0x1e: {  	s5 =	sshll.u32 s27, $0x1;
	_ =	strace $0x80000049;
	[dreg:$0x1] =	wrdreg $0xFFFFFFFF  }
0x1f: {  	s28 =	simm.s32 $_size_execute0_lowered;
	s3 =	sadd.s32 s3, s5;
	[dreg:$0x0] =	wrdreg $0x0  }
0x20: {  	s5 =	sshll.u32 s28, $0x1;
	[dreg:$0x2] =	wrdreg s3  }
0x21: {  	[dreg:$0x3] =	wrdreg s5  }
0x22: {  	[dreg:$0x4] =	wrdreg $0xC0  }
0x23: {  	_ =	task [dreg:s7], $0x5FFFF  }
0x24: {  	[dreg:$0x1] =	wrdreg $0xFFFFFFFF  }
0x25: {  	[dreg:$0x0] =	wrdreg $0x60  }
0x26: {  	[dreg:$0x2] =	wrdreg s25  }
0x27: {  	[dreg:$0x3] =	wrdreg s2  }
0x28: {  	[dreg:$0x4] =	wrdreg $0x9  }
0x29: {  	_ =	task.clear_ibuf [dreg:s7], $0x5FFFF;
	_ =	strace $0x90000049  }
0x2a: {  	s29 =	simm.s32 $0x9;
	_ =	strace $0x8000004B  }
0x2b: {  	_ =	swait.ge [sflag:s29], $0x1  }
0x2c: {  	[sflag:s29] =	ssyncadd.s32 $0xFFFFFFFF  }
0x2d: {  	_ =	strace $0x9000004B  }
0x2e: {  	_ =	sfence  }
0x2f: {  	s30 =	sld [smem:$0x0];
	_ =	sdelay $0x2  }
0x30: {  	s31 =	sshll.u32 s1, $0xD;
	s1 =	sshrl.u32 s1, $0x2  }
0x31: {  	s3 =	sand.u32 $0x4000, s31;
	s1 =	sadd.s32 s1, s30  }
0x32: {  	s0 =	sor.u32 s3, s0;
	s1 =	sshll.u32 s1, $0x11  }
0x33: {  	s0 =	sor.u32 s1, s0  }
0x34: {  	s0 =	sadd.s32 $0x8F2B, s0  }
0x35: {  	[sflag:s0] =	ssyncadd.remote.s32 $0x1  }
0x36: {  	_ =	sfence.sel $0xFFFF  }
0x37: {  	[dreg:$0x0] =	wrdreg $0xFFFFFFFF;
	(pc) =	sbr.abs _section_cstart, $3  }
0x38: {  	[dreg:$0x1] =	wrdreg $0xFFFFFFFF  }
0x39: {  	_ =	task.clear_ibuf [dreg:s7], $0x2FFFF;
	_ =	strace $0x9FFFFFFF  }
0x3a: {  	(tm) =	ssettm $0x7FFFFFFF  }
0x3b: {  	_ =	shalt  }
tec
execute0_lowered:
.L_overlay_start_1:
0x0: {  	(tag) =	ssettag $0x1  }
0x1: {  	s0 =	srdreg.scid  }
0x2: {  	s1 =	sshll.u32 s0, $0x4  }
0x3: {  	s0 =	stileid.u32;
	s1 =	sand.u32 $0x10, s1  }
0x4: {  	s1 =	sor.u32 s0, s1  }
0x5: {  	s6 =	rddreg [dreg:$0x0];
	s4 =	simm.s32 $0x1;
	s2 =	sshll.u32 s1, $0x7  }
0x6: {  	s7 =	simm.s32 $0x2;
	s12 =	simm.s32 $0x0;
	s1 =	ssub.s32 $0x4000, s2  }
0x7: {  	s8 =	simm.s32 $0x20000;
	s13 =	simm.s32 $0x0;
	s3 =	sand.u32 $0xF80, s1  }
0x8: {  	s9 =	simm.s32 $0x0;
	s5 =	sshrl.u32 s1, $0xC;
	p0 =	sne.s32 s3, $0x0  }
.Ltmp0:
0x9: {  	s1 =	rddreg [dreg:$0x2];
	s4 =	simm.s32 @!p0 $0x0;
	(pc) =	sbr.rel .LBB1_1-.Ltmp0, $4  }
0xa: {  	s11 =	simm.s32 $0x0;
	s3 =	rddreg [dreg:$0x1];
	s5 =	sadd.s32 s4, s5  }
0xb: {  	_ =	strace $0x8000004A;
	s4 =	simm.s32 $0x1;
	s5 =	smul.u32 $0x14, s5  }
0xc: {  	s6 =	sadd.s32 $0xA00, s6;
	s10 =	smov.u32 s2;
	[sflag:s4] =	ssyncpa.u1 $0x0  }
0xd: {  	p0 =	por $0x0, $0x0;
	[sflag:s7] =	ssyncpa.u1 $0x0;
	s7 =	sor.u32 $0x1, s5  }
.LBB1_4:
0xe: {  	s16 =	sshll.u32 s13, $0x3;
	s17 =	sand.u32 $0x78, s13  }
0xf: {  	s30 =	sand.u32 $0x1F800, s13;
	s12 =	sshll.u32 s12, $0x11;
	s16 =	sand.u32 $0x3C00, s16  }
0x10: {  	[tilespmem:s15+$0x810 ss:$0x81] =	vst.msk $0xffff, v2;
	s31 =	sand.u32 $0x7, s13;
	s16 =	sor.u32 s17, s16;
	s17 =	sadd.s32 s3, s30  }
0x11: {  	[tilespmem:s15+$0x1020 ss:$0x81] =	vst.msk $0xffff, v0;
	s13 =	sshll.u32 s31, $0x12;
	s12 =	sadd.s32 s12, s17;
	s16 =	sshrl.u32 s16, $0x3  }
0x12: {  	[tilespmem:s15+$0x0 ss:$0x81] =	vst.msk $0xffff, v1;
	s13 =	sor.u32 $0x400, s13;
	s12 =	sadd.s32 s16, s12  }
0x13: {  	[hbm4b:s12+s13] =	stream.strided.scatter [tilespmem:s14], [sflag:$0x2], $0x2000, s8, s13, $0x20;
	[tilespmem:$0x8080] =	vst v63  }
.LBB1_5:
0x14: {  	s14 =	sadd.s32 $0x1, s9  }
0x15: {  	s12 =	sadd.s32 $0x1000, s10;
	s16 =	smov.u32 s10;
	p2 =	sgt.s32 s14, $0x13  }
0x16: {  	s16 =	smov.u32 @p2 s12  }
0x17: {  	s14 =	simm.s32 @p2 $0x0;
	p2 =	sgt.s32 s16, $0x3FFF  }
0x18: {  	s16 =	smov.u32 @p2 s2;
	p2 =	sne.s32 s11, s7  }
.Ltmp1:
0x19: {  	p1 =	slt.u32 s11, $0x2;
	(pc) =	sbr.rel @!p2 .LBB1_6-.Ltmp1, $4  }
0x1a: {  	s15 =	simm.s32 @!p1 $0x2  }
0x1b: {  	s13 =	smov.u32 s10;
	p0 =	por !p0, !p0;
	_ =	swait.ge @!p1 [sflag:s15], $0x2000  }
0x1c: {  	s12 =	smov.u32 s9;
	[sflag:s15] =	ssyncset.done @!p1 $0x0;
	s9 =	smov.u32 s14  }
0x1d: {  	s11 =	sadd.s32 $0x1, s11;
	[sflag:s15] =	ssyncadd.s32 @!p1 $0xFFFFE000;
	s10 =	smov.u32 s16  }
.LBB1_1:
0x1e: {  	p1 =	sge.u32 s11, s5  }
0x1f: {  	s14 =	sand.u32 @!p1 $0x1FFFFFF, s9  }
0x20: {  	s15 =	smulhi.u32 @!p1 $0xAAAAAAB, s14;
	_ =	sdelay $0x1  }
0x21: {  	s15 =	smul.u32 @!p1 $0x18, s15  }
0x22: {  	s16 =	sxor.u32 @!p1 $0xFFFFFFFF, s11;
	s17 =	smul.u32 @!p1 $0x180, s10  }
0x23: {  	s31 =	sadd.s32 $0xFFFFFFFF, s11;
	s16 =	sshll.u32 @!p1 s16, $0xD;
	s14 =	ssub.s32 @!p1 s14, s15  }
0x24: {  	s15 =	sand.u32 @!p1 $0x2000, s16;
	s16 =	sadd.s32 @!p1 s6, s17;
	s14 =	sshll.u32 @!p1 s14, $0x4  }
0x25: {  	s17 =	simm.s32 @!p1 $0xC00;
	s14 =	sadd.s32 @!p1 s14, s16;
	s16 =	simm.s32 @!p1 $0x40  }
0x26: {  	[tilespmem:s15], [sflag:$0x1] =	stream.strided.gather @!p1 [hbm4b:s14+s16], $0x2000, s17, s16, $0x38;
	[tilespmem:$0x8080] =	vst v63  }
0x27: {  	p1 =	sge.u32 s31, s5  }
.Ltmp2:
0x28: {  	_ = 	snop;
	(pc) =	sbr.rel @p1 .LBB1_5-.Ltmp2, $1  }
0x29: {  	_ =	sdelay $0x3  }
0x2a: {  	s14 =	simm.s32 $0x1  }
0x2b: {  	_ =	swait.ge [sflag:s4], $0x2000;
	s14 =	simm.s32 @!p0 $0x0  }
0x2c: {  	[sflag:s4] =	ssyncset.done $0x0;
	s15 =	sshll.u32 s14, $0xD  }
0x2d: {  	[sflag:s4] =	ssyncadd.s32 $0xFFFFE000;
	s18 =	sor.u32 $0x20, s15  }
0x2e: {  	s14 =	smul.u32 $0x8100, s14;
	v3 =	vld [tilespmem:s18+$0x10]  }
0x2f: {  	s30 =	sand.u32 $0x1, s11;
	v2 =	vld [tilespmem:s18+$0xFFFFFFF0]  }
0x30: {  	s15 =	smul.u32 $0x8100, s30;
	s14 =	sshrl.u32 s14, $0x2;
	v0 =	vld [tilespmem:s18+$0x0]  }
0x31: {  	v1 =	vld [tilespmem:s18+$0xFFFFFFE0];
	s16 =	sor.u32 $0x4000, s14  }
0x32: {  	s31 =	sshrl.u32 s15, $0x2;
	s15 =	sadd.s32 $0x0, s16  }
0x33: {  	s17 =	simm.s32 $0x4;
	s18 =	sadd.s32 $0x40, s18;
	s14 =	sor.u32 $0x4000, s31;
	[tilespmem:s15+$0x1830 ss:$0x81] =	vst.msk $0xffff, v3  }
.LBB1_3:
0x34: {  	v3 =	vld [tilespmem:s18+$0x10];
	p1 =	sne.s32 s17, $0x1FC;
	[tilespmem:s15+$0x810 ss:$0x81] =	vst.msk $0xffff, v2;
	s19 =	smov.u32 s17;
	s17 =	sadd.s32 $0x4, s17  }
.Ltmp3:
0x35: {  	v2 =	vld [tilespmem:s18+$0xFFFFFFF0];
	[tilespmem:s15+$0x1020 ss:$0x81] =	vst.msk $0xffff, v0;
	(pc) =	sbr.rel @p1 .LBB1_3-.Ltmp3, $4  }
0x36: {  	v0 =	vld [tilespmem:s18+$0x0];
	[tilespmem:s15+$0x0 ss:$0x81] =	vst.msk $0xffff, v1  }
0x37: {  	s15 =	sshra.s32 s19, $0x2;
	v1 =	vld [tilespmem:s18+$0xFFFFFFE0]  }
0x38: {  	s15 =	sadd.s32 s15, s16  }
0x39: {  	s18 =	sadd.s32 $0x40, s18;
	[tilespmem:s15+$0x1830 ss:$0x81] =	vst.msk $0xffff, v3  }
.Ltmp4:
0x3a: {  	_ = 	snop;
	(pc) =	sbr.rel .LBB1_4-.Ltmp4, $1  }
0x3b: {  	_ =	sdelay $0x3  }
.LBB1_6:
0x3c: {  	_ =	sfence.sel $0x180000  }
0x3d: {  	s2 =	simm.s32 $0x1;
	[bflag:$0x0] =	sbarrier.arrive $0xFFFF  }
0x3e: {  	s31 =	simm.s32 $0x2;
	[sflag:s2] =	ssyncpa.u1 $0x1  }
0x3f: {  	[sflag:s31] =	ssyncpa.u1 $0x1  }
0x40: {  	p0 =	sne.s32 s0, $0x0;
	_ =	strace $0x9000004A  }
0x41: {  	s0 =	sadd.s32 @!p0 $0x100000, s1;
	[bflag:$0x2] =	sbarrier.arrive $0xFFFF  }
0x42: {  	[sflag:s0] =	ssyncadd.tile.s32 @!p0 $0x1;
	_ =	shalt  }
.Lfunc_end1:
_tile_overlayer_lowered:
.L_overlay_start_2:
0x43: {  	(tag) =	ssettag $0x2  }
0x44: {  	s0 =	rddreg [dreg:$0x0];
	s2 =	stileid.u32  }
0x45: {  	s1 =	rddreg [dreg:$0x1];
	p0 =	sne.s32 s2, $0x0  }
0x46: {  	s3 =	rddreg [dreg:$0x2];
	[bflag:$0x3] =	sbarrier.arrive $0xFFFF;
	s2 =	simm.s32 @!p0 $0x1C01  }
0x47: {  	[timem:s3], [sflag:s2] =	dma.local @!p0 [hbm:s0], s1  }
0x48: {  	s0 =	simm.s32 @!p0 $0x1  }
0x49: {  	_ =	swait.ge @!p0 [sflag:s0], s1  }
0x4a: {  	s1 =	ssub.s32 @!p0 $0x0, s1;
	[sflag:s0] =	ssyncset.done @!p0 $0x0  }
0x4b: {  	[sflag:s0] =	ssyncadd.s32 @!p0 s1  }
0x4c: {  	[bflag:$0x3] =	sbarrier.arrive $0xFFFF  }
0x4d: {  	_ =	shalt  }

</sc_bundles>
